<compile_context>
chip_gen: v7x
topology: tpu7x:2x2x1
jax: 0.10.2.dev20260603
libtpu: 0.0.44.dev20260713+nightly
codegen_flags: <defaults>
</compile_context>

<pallas_src>
import functools

import jax
import jax.numpy as jnp
from jax import lax
from jax.experimental import pallas as pl
from jax.experimental.pallas import tpu as pltpu
from jax.experimental.pallas import tpu_sc as plsc

_LANES = 16
_SC_ROWS = 2048
_TC_BS = 512


def _make_sc_tail_add(B, S, D, R):
    NC, NS = 2, 16
    NW = NC * NS
    rows_per_w = R // NW
    CH = 16
    n_chunks = rows_per_w // CH
    chunk = CH * D
    x_base = (B * S - R) * D
    pe_base = (S - R) * D

    mesh = plsc.VectorSubcoreMesh(core_axis_name="c", subcore_axis_name="s")

    @functools.partial(
        pl.kernel,
        out_type=jax.ShapeDtypeStruct((R * D,), jnp.float32),
        mesh=mesh,
        scratch_types=[
            [pltpu.VMEM((chunk,), jnp.float32) for _ in range(2)],
            [pltpu.VMEM((chunk,), jnp.float32) for _ in range(2)],
            [pltpu.VMEM((chunk,), jnp.float32) for _ in range(2)],
            [pltpu.SemaphoreType.DMA for _ in range(2)],
            [pltpu.SemaphoreType.DMA for _ in range(2)],
            [pltpu.SemaphoreType.DMA for _ in range(2)],
        ],
    )
    def sc_add(x_hbm, pe_hbm, out_hbm, x_v, o_v, pe_v, sx, so, sp):
        wid = lax.axis_index("s") * NC + lax.axis_index("c")
        base = wid * rows_per_w * D

        def off(k):
            return base + k * chunk

        for j in range(2):
            pltpu.async_copy(
                x_hbm.at[pl.ds(x_base + off(j), chunk)], x_v[j], sx[j]
            )
            pltpu.async_copy(
                pe_hbm.at[pl.ds(pe_base + off(j), chunk)], pe_v[j], sp[j]
            )

        def q_body(q, carry):
            for jj in range(2):
                k = 2 * q + jj
                @pl.when(k >= 2)
                def _():
                    pltpu.make_async_copy(
                        o_v[jj], out_hbm.at[pl.ds(off(k - 2), chunk)], so[jj]
                    ).wait()
                pltpu.make_async_copy(
                    x_hbm.at[pl.ds(x_base + off(k), chunk)], x_v[jj], sx[jj]
                ).wait()
                pltpu.make_async_copy(
                    pe_hbm.at[pl.ds(pe_base + off(k), chunk)], pe_v[jj],
                    sp[jj],
                ).wait()

                @plsc.parallel_loop(0, chunk // _LANES, unroll=8)
                def _add(i):
                    sl = pl.ds(i * _LANES, _LANES)
                    o_v[jj][sl] = x_v[jj][sl] + pe_v[jj][sl]

                pltpu.async_copy(
                    o_v[jj], out_hbm.at[pl.ds(off(k), chunk)], so[jj]
                )

                @pl.when(k + 2 < n_chunks)
                def _():
                    pltpu.async_copy(
                        x_hbm.at[pl.ds(x_base + off(k + 2), chunk)], x_v[jj],
                        sx[jj],
                    )
                    pltpu.async_copy(
                        pe_hbm.at[pl.ds(pe_base + off(k + 2), chunk)],
                        pe_v[jj], sp[jj],
                    )
            return carry

        lax.fori_loop(0, n_chunks // 2, q_body, 0)

        for k in (n_chunks - 2, n_chunks - 1):
            pltpu.make_async_copy(
                o_v[k % 2], out_hbm.at[pl.ds(off(k), chunk)], so[k % 2]
            ).wait()

    return sc_add


def _add_body(x_ref, pe_ref, o_ref):
    o_ref[...] = x_ref[...] + pe_ref[...]


def _tc_head_add(x2, pe, rows_tc, S):
    D = x2.shape[1]
    n_pe_blocks = S // _TC_BS
    return pl.pallas_call(
        _add_body,
        grid=(rows_tc // _TC_BS,),
        in_specs=[
            pl.BlockSpec((_TC_BS, D), lambda i: (i, 0)),
            pl.BlockSpec((_TC_BS, D), lambda i: (i % n_pe_blocks, 0)),
        ],
        out_specs=pl.BlockSpec((_TC_BS, D), lambda i: (i, 0)),
        out_shape=jax.ShapeDtypeStruct((rows_tc, D), x2.dtype),
    )(x2, pe)


def kernel(x, pos_embedding):
    B, S, D = x.shape
    R = _SC_ROWS
    rows_tc = B * S - R
    x2 = x.reshape(B * S, D)
    tc_out = x2[:rows_tc]
    sc_out = _make_sc_tail_add(B, S, D, R)(
        x.reshape(-1), pos_embedding.reshape(-1)
    )
    out = jnp.concatenate([tc_out.reshape(-1), sc_out])
    return out.reshape(B, S, D)

# --- scband reference (transcript-rebuilt; emitter-appended) ---
"""Pipeline reference for scband-positional-encoding-88897233092709 (READ-ONLY COPY).

The authoritative reference and input builder live on the scoring server;
editing this copy changes nothing except your own understanding.
"""

import math
import jax, jax.numpy as jnp
import numpy as np

D_MODEL = 1024
MAX_SEQ_LEN = 4096
BATCH = 4
SEQ_LEN = 4096


def _sinusoidal_table(max_seq_len, d_model):
    position = np.arange(max_seq_len, dtype=np.float32)[:, None]
    div_term = np.exp(np.arange(0, d_model, 2, dtype=np.float32) * (-math.log(10000.0) / d_model))
    pe = np.zeros((max_seq_len, d_model), dtype=np.float32)
    pe[:, 0::2] = np.sin(position * div_term)
    pe[:, 1::2] = np.cos(position * div_term)
    return jnp.asarray(pe)


def setup_inputs(seed: int = 0) -> dict:
    key = jax.random.key(seed)
    kx, = jax.random.split(key, 1)
    x = jax.random.normal(kx, (BATCH, SEQ_LEN, D_MODEL), dtype=jnp.float32)
    pos_embedding = _sinusoidal_table(MAX_SEQ_LEN, D_MODEL)
    return {"x": x, "pos_embedding": pos_embedding}


def reference(x, pos_embedding):
    # seq_len = x.shape[1]; positions = arange(seq_len)[None, :]
    seq_len = x.shape[1]
    positions = jnp.arange(seq_len)[None, :]
    # embedding lookup: gather rows of pos_embedding
    pos_enc = jnp.take(pos_embedding, positions, axis=0)  # (1, seq_len, d_model)
    # dropout p=0.0 -> identity (eval-mode semantics)
    return x + pos_enc

if __name__ == "__main__":
    import jax
    _d = setup_inputs()
    print(jax.jit(kernel)(*tuple(_d.values())))

</pallas_src>

<mosaic_0001>
#map = affine_map<(d0, d1) -> (0)>
module attributes {stable_mosaic.version = 14 : i64} {
  func.func @sc_add(%arg0: i32, %arg1: i32, %arg2: memref<16777216xf32, #tpu.memory_space<hbm>>, %arg3: memref<4194304xf32, #tpu.memory_space<hbm>>, %arg4: memref<2097152xf32, #tpu.memory_space<hbm>>, %arg5: memref<16384xf32, #tpu.memory_space<vmem>>, %arg6: memref<16384xf32, #tpu.memory_space<vmem>>, %arg7: memref<16384xf32, #tpu.memory_space<vmem>>, %arg8: memref<16384xf32, #tpu.memory_space<vmem>>, %arg9: memref<16384xf32, #tpu.memory_space<vmem>>, %arg10: memref<16384xf32, #tpu.memory_space<vmem>>, %arg11: memref<!tpu.dma_semaphore, #tpu.memory_space<semaphore_mem>>, %arg12: memref<!tpu.dma_semaphore, #tpu.memory_space<semaphore_mem>>, %arg13: memref<!tpu.dma_semaphore, #tpu.memory_space<semaphore_mem>>, %arg14: memref<!tpu.dma_semaphore, #tpu.memory_space<semaphore_mem>>, %arg15: memref<!tpu.dma_semaphore, #tpu.memory_space<semaphore_mem>>, %arg16: memref<!tpu.dma_semaphore, #tpu.memory_space<semaphore_mem>>) attributes {dimension_semantics = [#tpu.dimension_semantics<core_parallel>, #tpu.dimension_semantics<subcore_parallel>], iteration_bounds = array<i64: 2, 16>, scalar_prefetch = 0 : i64, scratch_operands = 12 : i64, tpu.core_type = #tpu.core_type<sc_vector_subcore>, window_params = [{transform_indices = #map}, {transform_indices = #map}, {transform_indices = #map}]} {
    %mul3A = arith.constant 2 : i32
    %mul3A_0 = arith.muli %arg1, %mul3A : i32
    %add3A = arith.addi %mul3A_0, %arg0 : i32
    %mul3A_1 = arith.constant 64 : i32
    %mul3A_2 = arith.muli %add3A, %mul3A_1 : i32
    %mul3A_3 = arith.constant 1024 : i32
    %mul3A_4 = arith.muli %mul3A_2, %mul3A_3 : i32
    %add3A_5 = arith.constant 0 : i32
    %add3A_6 = arith.addi %mul3A_4, %add3A_5 : i32
    %add3A_7 = arith.constant 14680064 : i32
    %add3A_8 = arith.addi %add3A_7, %add3A_6 : i32
    %dma_start3A = tpu.memref_slice %arg2[%add3A_8] : memref<16777216xf32, #tpu.memory_space<hbm>> -> memref<16384xf32, #tpu.memory_space<hbm>>
    %dma_start3A_9 = tpu.memref_slice %arg2[%add3A_8] : memref<16777216xf32, #tpu.memory_space<hbm>> -> memref<16384xf32, #tpu.memory_space<hbm>>
    tpu.enqueue_dma source(%dma_start3A_9 : memref<16384xf32, #tpu.memory_space<hbm>>) target(%arg5 : memref<16384xf32, #tpu.memory_space<vmem>>) target_semaphore(%arg11 : memref<!tpu.dma_semaphore, #tpu.memory_space<semaphore_mem>>)
    %add3A_10 = arith.constant 0 : i32
    %add3A_11 = arith.addi %mul3A_4, %add3A_10 : i32
    %add3A_12 = arith.constant 2097152 : i32
    %add3A_13 = arith.addi %add3A_12, %add3A_11 : i32
    %dma_start3A_14 = tpu.memref_slice %arg3[%add3A_13] : memref<4194304xf32, #tpu.memory_space<hbm>> -> memref<16384xf32, #tpu.memory_space<hbm>>
    %dma_start3A_15 = tpu.memref_slice %arg3[%add3A_13] : memref<4194304xf32, #tpu.memory_space<hbm>> -> memref<16384xf32, #tpu.memory_space<hbm>>
    tpu.enqueue_dma source(%dma_start3A_15 : memref<16384xf32, #tpu.memory_space<hbm>>) target(%arg9 : memref<16384xf32, #tpu.memory_space<vmem>>) target_semaphore(%arg15 : memref<!tpu.dma_semaphore, #tpu.memory_space<semaphore_mem>>)
    %add3A_16 = arith.constant 16384 : i32
    %add3A_17 = arith.addi %mul3A_4, %add3A_16 : i32
    %add3A_18 = arith.constant 14680064 : i32
    %add3A_19 = arith.addi %add3A_18, %add3A_17 : i32
    %dma_start3A_20 = tpu.memref_slice %arg2[%add3A_19] : memref<16777216xf32, #tpu.memory_space<hbm>> -> memref<16384xf32, #tpu.memory_space<hbm>>
    %dma_start3A_21 = tpu.memref_slice %arg2[%add3A_19] : memref<16777216xf32, #tpu.memory_space<hbm>> -> memref<16384xf32, #tpu.memory_space<hbm>>
    tpu.enqueue_dma source(%dma_start3A_21 : memref<16384xf32, #tpu.memory_space<hbm>>) target(%arg6 : memref<16384xf32, #tpu.memory_space<vmem>>) target_semaphore(%arg12 : memref<!tpu.dma_semaphore, #tpu.memory_space<semaphore_mem>>)
    %add3A_22 = arith.constant 16384 : i32
    %add3A_23 = arith.addi %mul3A_4, %add3A_22 : i32
    %add3A_24 = arith.constant 2097152 : i32
    %add3A_25 = arith.addi %add3A_24, %add3A_23 : i32
    %dma_start3A_26 = tpu.memref_slice %arg3[%add3A_25] : memref<4194304xf32, #tpu.memory_space<hbm>> -> memref<16384xf32, #tpu.memory_space<hbm>>
    %dma_start3A_27 = tpu.memref_slice %arg3[%add3A_25] : memref<4194304xf32, #tpu.memory_space<hbm>> -> memref<16384xf32, #tpu.memory_space<hbm>>
    tpu.enqueue_dma source(%dma_start3A_27 : memref<16384xf32, #tpu.memory_space<hbm>>) target(%arg10 : memref<16384xf32, #tpu.memory_space<vmem>>) target_semaphore(%arg16 : memref<!tpu.dma_semaphore, #tpu.memory_space<semaphore_mem>>)
    %scan3A = arith.constant 0 : i32
    %scan3A_28 = arith.constant 0 : i32
    %scan3A_29 = arith.constant 2 : i32
    %scan3A_30 = arith.addi %scan3A_28, %scan3A_29 : i32
    %scan3A_31 = arith.constant 1 : i32
    scf.for %scan3A_40 = %scan3A_28 to %scan3A_30 step %scan3A_31  : i32 {
      %mul3A_41 = arith.constant 2 : i32
      %mul3A_42 = arith.muli %mul3A_41, %scan3A_40 : i32
      %add3A_43 = arith.constant 0 : i32
      %add3A_44 = arith.addi %mul3A_42, %add3A_43 : i32
      %ge3A = arith.constant 2 : i32
      %ge3A_45 = arith.cmpi sge, %add3A_44, %ge3A : i32
      %convert_element_type3A = arith.extui %ge3A_45 : i1 to i32
      %cond3A = arith.constant 0 : i32
      %cond3A_46 = arith.cmpi ne, %convert_element_type3A, %cond3A : i32
      scf.if %cond3A_46 {
        %sub3A = arith.constant 2 : i32
        %sub3A_112 = arith.subi %add3A_44, %sub3A : i32
        %mul3A_113 = arith.constant 16384 : i32
        %mul3A_114 = arith.muli %sub3A_112, %mul3A_113 : i32
        %add3A_115 = arith.addi %mul3A_4, %mul3A_114 : i32
        %dma_wait3A_116 = tpu.memref_slice %arg4[%add3A_115] : memref<2097152xf32, #tpu.memory_space<hbm>> -> memref<16384xf32, #tpu.memory_space<hbm>>
        %dma_wait3A_117 = tpu.memref_slice %arg4[%add3A_115] : memref<2097152xf32, #tpu.memory_space<hbm>> -> memref<16384xf32, #tpu.memory_space<hbm>>
        tpu.wait_dma2 semaphore(%arg13 : memref<!tpu.dma_semaphore, #tpu.memory_space<semaphore_mem>>) src(%arg7 : memref<16384xf32, #tpu.memory_space<vmem>>) dst(%dma_wait3A_117 : memref<16384xf32, #tpu.memory_space<hbm>>)
      } else {
      }
      %mul3A_47 = arith.constant 16384 : i32
      %mul3A_48 = arith.muli %add3A_44, %mul3A_47 : i32
      %add3A_49 = arith.addi %mul3A_4, %mul3A_48 : i32
      %add3A_50 = arith.constant 14680064 : i32
      %add3A_51 = arith.addi %add3A_50, %add3A_49 : i32
      %dma_wait3A_52 = tpu.memref_slice %arg2[%add3A_51] : memref<16777216xf32, #tpu.memory_space<hbm>> -> memref<16384xf32, #tpu.memory_space<hbm>>
      %dma_wait3A_53 = tpu.memref_slice %arg2[%add3A_51] : memref<16777216xf32, #tpu.memory_space<hbm>> -> memref<16384xf32, #tpu.memory_space<hbm>>
      tpu.wait_dma2 semaphore(%arg11 : memref<!tpu.dma_semaphore, #tpu.memory_space<semaphore_mem>>) src(%dma_wait3A_53 : memref<16384xf32, #tpu.memory_space<hbm>>) dst(%arg5 : memref<16384xf32, #tpu.memory_space<vmem>>)
      %mul3A_54 = arith.constant 16384 : i32
      %mul3A_55 = arith.muli %add3A_44, %mul3A_54 : i32
      %add3A_56 = arith.addi %mul3A_4, %mul3A_55 : i32
      %add3A_57 = arith.constant 2097152 : i32
      %add3A_58 = arith.addi %add3A_57, %add3A_56 : i32
      %dma_wait3A_59 = tpu.memref_slice %arg3[%add3A_58] : memref<4194304xf32, #tpu.memory_space<hbm>> -> memref<16384xf32, #tpu.memory_space<hbm>>
      %dma_wait3A_60 = tpu.memref_slice %arg3[%add3A_58] : memref<4194304xf32, #tpu.memory_space<hbm>> -> memref<16384xf32, #tpu.memory_space<hbm>>
      tpu.wait_dma2 semaphore(%arg15 : memref<!tpu.dma_semaphore, #tpu.memory_space<semaphore_mem>>) src(%dma_wait3A_60 : memref<16384xf32, #tpu.memory_space<hbm>>) dst(%arg9 : memref<16384xf32, #tpu.memory_space<vmem>>)
      %parallel_loop3A = arith.constant 0 : i32
      %parallel_loop3A_61 = arith.constant 1024 : i32
      %parallel_loop3A_62 = arith.constant 1 : i32
      scf.for %parallel_loop3A_112 = %parallel_loop3A to %parallel_loop3A_61 step %parallel_loop3A_62  : i32 {
        %parallel_loop3A_113 = arith.constant 16 : i32
        %parallel_loop3A_114 = arith.muli %parallel_loop3A_112, %parallel_loop3A_113 : i32
        %parallel_loop3A_115 = arith.index_cast %parallel_loop3A_114 : i32 to index
        %parallel_loop3A_116 = tpu.vector_load %arg5[%parallel_loop3A_115] {strides = array<i32>} : memref<16384xf32, #tpu.memory_space<vmem>>, vector<16xf32>,
        %parallel_loop3A_117 = vector.shape_cast %parallel_loop3A_116 : vector<16xf32> to vector<16xf32>
        %parallel_loop3A_118 = arith.index_cast %parallel_loop3A_114 : i32 to index
        %parallel_loop3A_119 = tpu.vector_load %arg9[%parallel_loop3A_118] {strides = array<i32>} : memref<16384xf32, #tpu.memory_space<vmem>>, vector<16xf32>,
        %parallel_loop3A_120 = vector.shape_cast %parallel_loop3A_119 : vector<16xf32> to vector<16xf32>
        %parallel_loop3A_121 = arith.addf %parallel_loop3A_117, %parallel_loop3A_120 : vector<16xf32>
        %parallel_loop3A_122 = arith.index_cast %parallel_loop3A_114 : i32 to index
        %parallel_loop3A_123 = tpu.vector_load %arg7[%parallel_loop3A_122] {strides = array<i32>} : memref<16384xf32, #tpu.memory_space<vmem>>, vector<16xf32>,
        %parallel_loop3A_124 = vector.shape_cast %parallel_loop3A_123 : vector<16xf32> to vector<16xf32>
        %parallel_loop3A_125 = vector.shape_cast %parallel_loop3A_121 : vector<16xf32> to vector<16xf32>
        tpu.vector_store %arg7[%parallel_loop3A_122], %parallel_loop3A_125 {strides = array<i32>} : memref<16384xf32, #tpu.memory_space<vmem>>, vector<16xf32>,
      } {sc.loop_unroll_factor = 8 : i64, sc.parallel_access}
      %mul3A_63 = arith.constant 16384 : i32
      %mul3A_64 = arith.muli %add3A_44, %mul3A_63 : i32
      %add3A_65 = arith.addi %mul3A_4, %mul3A_64 : i32
      %dma_start3A_66 = tpu.memref_slice %arg4[%add3A_65] : memref<2097152xf32, #tpu.memory_space<hbm>> -> memref<16384xf32, #tpu.memory_space<hbm>>
      %dma_start3A_67 = tpu.memref_slice %arg4[%add3A_65] : memref<2097152xf32, #tpu.memory_space<hbm>> -> memref<16384xf32, #tpu.memory_space<hbm>>
      tpu.enqueue_dma source(%arg7 : memref<16384xf32, #tpu.memory_space<vmem>>) target(%dma_start3A_67 : memref<16384xf32, #tpu.memory_space<hbm>>) target_semaphore(%arg13 : memref<!tpu.dma_semaphore, #tpu.memory_space<semaphore_mem>>)
      %add3A_68 = arith.constant 2 : i32
      %add3A_69 = arith.addi %add3A_44, %add3A_68 : i32
      %lt3A = arith.constant 4 : i32
      %lt3A_70 = arith.cmpi slt, %add3A_69, %lt3A : i32
      %convert_element_type3A_71 = arith.extui %lt3A_70 : i1 to i32
      %cond3A_72 = arith.constant 0 : i32
      %cond3A_73 = arith.cmpi ne, %convert_element_type3A_71, %cond3A_72 : i32
      scf.if %cond3A_73 {
        %add3A_112 = arith.constant 2 : i32
        %add3A_113 = arith.addi %add3A_44, %add3A_112 : i32
        %mul3A_114 = arith.constant 16384 : i32
        %mul3A_115 = arith.muli %add3A_113, %mul3A_114 : i32
        %add3A_116 = arith.addi %mul3A_4, %mul3A_115 : i32
        %add3A_117 = arith.constant 14680064 : i32
        %add3A_118 = arith.addi %add3A_117, %add3A_116 : i32
        %dma_start3A_119 = tpu.memref_slice %arg2[%add3A_118] : memref<16777216xf32, #tpu.memory_space<hbm>> -> memref<16384xf32, #tpu.memory_space<hbm>>
        %dma_start3A_120 = tpu.memref_slice %arg2[%add3A_118] : memref<16777216xf32, #tpu.memory_space<hbm>> -> memref<16384xf32, #tpu.memory_space<hbm>>
        tpu.enqueue_dma source(%dma_start3A_120 : memref<16384xf32, #tpu.memory_space<hbm>>) target(%arg5 : memref<16384xf32, #tpu.memory_space<vmem>>) target_semaphore(%arg11 : memref<!tpu.dma_semaphore, #tpu.memory_space<semaphore_mem>>)
        %add3A_121 = arith.constant 2 : i32
        %add3A_122 = arith.addi %add3A_44, %add3A_121 : i32
        %mul3A_123 = arith.constant 16384 : i32
        %mul3A_124 = arith.muli %add3A_122, %mul3A_123 : i32
        %add3A_125 = arith.addi %mul3A_4, %mul3A_124 : i32
        %add3A_126 = arith.constant 2097152 : i32
        %add3A_127 = arith.addi %add3A_126, %add3A_125 : i32
        %dma_start3A_128 = tpu.memref_slice %arg3[%add3A_127] : memref<4194304xf32, #tpu.memory_space<hbm>> -> memref<16384xf32, #tpu.memory_space<hbm>>
        %dma_start3A_129 = tpu.memref_slice %arg3[%add3A_127] : memref<4194304xf32, #tpu.memory_space<hbm>> -> memref<16384xf32, #tpu.memory_space<hbm>>
        tpu.enqueue_dma source(%dma_start3A_129 : memref<16384xf32, #tpu.memory_space<hbm>>) target(%arg9 : memref<16384xf32, #tpu.memory_space<vmem>>) target_semaphore(%arg15 : memref<!tpu.dma_semaphore, #tpu.memory_space<semaphore_mem>>)
      } else {
      }
      %mul3A_74 = arith.constant 2 : i32
      %mul3A_75 = arith.muli %mul3A_74, %scan3A_40 : i32
      %add3A_76 = arith.constant 1 : i32
      %add3A_77 = arith.addi %mul3A_75, %add3A_76 : i32
      %ge3A_78 = arith.constant 2 : i32
      %ge3A_79 = arith.cmpi sge, %add3A_77, %ge3A_78 : i32
      %convert_element_type3A_80 = arith.extui %ge3A_79 : i1 to i32
      %cond3A_81 = arith.constant 0 : i32
      %cond3A_82 = arith.cmpi ne, %convert_element_type3A_80, %cond3A_81 : i32
      scf.if %cond3A_82 {
        %sub3A = arith.constant 2 : i32
        %sub3A_112 = arith.subi %add3A_77, %sub3A : i32
        %mul3A_113 = arith.constant 16384 : i32
        %mul3A_114 = arith.muli %sub3A_112, %mul3A_113 : i32
        %add3A_115 = arith.addi %mul3A_4, %mul3A_114 : i32
        %dma_wait3A_116 = tpu.memref_slice %arg4[%add3A_115] : memref<2097152xf32, #tpu.memory_space<hbm>> -> memref<16384xf32, #tpu.memory_space<hbm>>
        %dma_wait3A_117 = tpu.memref_slice %arg4[%add3A_115] : memref<2097152xf32, #tpu.memory_space<hbm>> -> memref<16384xf32, #tpu.memory_space<hbm>>
        tpu.wait_dma2 semaphore(%arg14 : memref<!tpu.dma_semaphore, #tpu.memory_space<semaphore_mem>>) src(%arg8 : memref<16384xf32, #tpu.memory_space<vmem>>) dst(%dma_wait3A_117 : memref<16384xf32, #tpu.memory_space<hbm>>)
      } else {
      }
      %mul3A_83 = arith.constant 16384 : i32
      %mul3A_84 = arith.muli %add3A_77, %mul3A_83 : i32
      %add3A_85 = arith.addi %mul3A_4, %mul3A_84 : i32
      %add3A_86 = arith.constant 14680064 : i32
      %add3A_87 = arith.addi %add3A_86, %add3A_85 : i32
      %dma_wait3A_88 = tpu.memref_slice %arg2[%add3A_87] : memref<16777216xf32, #tpu.memory_space<hbm>> -> memref<16384xf32, #tpu.memory_space<hbm>>
      %dma_wait3A_89 = tpu.memref_slice %arg2[%add3A_87] : memref<16777216xf32, #tpu.memory_space<hbm>> -> memref<16384xf32, #tpu.memory_space<hbm>>
      tpu.wait_dma2 semaphore(%arg12 : memref<!tpu.dma_semaphore, #tpu.memory_space<semaphore_mem>>) src(%dma_wait3A_89 : memref<16384xf32, #tpu.memory_space<hbm>>) dst(%arg6 : memref<16384xf32, #tpu.memory_space<vmem>>)
      %mul3A_90 = arith.constant 16384 : i32
      %mul3A_91 = arith.muli %add3A_77, %mul3A_90 : i32
      %add3A_92 = arith.addi %mul3A_4, %mul3A_91 : i32
      %add3A_93 = arith.constant 2097152 : i32
      %add3A_94 = arith.addi %add3A_93, %add3A_92 : i32
      %dma_wait3A_95 = tpu.memref_slice %arg3[%add3A_94] : memref<4194304xf32, #tpu.memory_space<hbm>> -> memref<16384xf32, #tpu.memory_space<hbm>>
      %dma_wait3A_96 = tpu.memref_slice %arg3[%add3A_94] : memref<4194304xf32, #tpu.memory_space<hbm>> -> memref<16384xf32, #tpu.memory_space<hbm>>
      tpu.wait_dma2 semaphore(%arg16 : memref<!tpu.dma_semaphore, #tpu.memory_space<semaphore_mem>>) src(%dma_wait3A_96 : memref<16384xf32, #tpu.memory_space<hbm>>) dst(%arg10 : memref<16384xf32, #tpu.memory_space<vmem>>)
      %parallel_loop3A_97 = arith.constant 0 : i32
      %parallel_loop3A_98 = arith.constant 1024 : i32
      %parallel_loop3A_99 = arith.constant 1 : i32
      scf.for %parallel_loop3A_112 = %parallel_loop3A_97 to %parallel_loop3A_98 step %parallel_loop3A_99  : i32 {
        %parallel_loop3A_113 = arith.constant 16 : i32
        %parallel_loop3A_114 = arith.muli %parallel_loop3A_112, %parallel_loop3A_113 : i32
        %parallel_loop3A_115 = arith.index_cast %parallel_loop3A_114 : i32 to index
        %parallel_loop3A_116 = tpu.vector_load %arg6[%parallel_loop3A_115] {strides = array<i32>} : memref<16384xf32, #tpu.memory_space<vmem>>, vector<16xf32>,
        %parallel_loop3A_117 = vector.shape_cast %parallel_loop3A_116 : vector<16xf32> to vector<16xf32>
        %parallel_loop3A_118 = arith.index_cast %parallel_loop3A_114 : i32 to index
        %parallel_loop3A_119 = tpu.vector_load %arg10[%parallel_loop3A_118] {strides = array<i32>} : memref<16384xf32, #tpu.memory_space<vmem>>, vector<16xf32>,
        %parallel_loop3A_120 = vector.shape_cast %parallel_loop3A_119 : vector<16xf32> to vector<16xf32>
        %parallel_loop3A_121 = arith.addf %parallel_loop3A_117, %parallel_loop3A_120 : vector<16xf32>
        %parallel_loop3A_122 = arith.index_cast %parallel_loop3A_114 : i32 to index
        %parallel_loop3A_123 = tpu.vector_load %arg8[%parallel_loop3A_122] {strides = array<i32>} : memref<16384xf32, #tpu.memory_space<vmem>>, vector<16xf32>,
        %parallel_loop3A_124 = vector.shape_cast %parallel_loop3A_123 : vector<16xf32> to vector<16xf32>
        %parallel_loop3A_125 = vector.shape_cast %parallel_loop3A_121 : vector<16xf32> to vector<16xf32>
        tpu.vector_store %arg8[%parallel_loop3A_122], %parallel_loop3A_125 {strides = array<i32>} : memref<16384xf32, #tpu.memory_space<vmem>>, vector<16xf32>,
      } {sc.loop_unroll_factor = 8 : i64, sc.parallel_access}
      %mul3A_100 = arith.constant 16384 : i32
      %mul3A_101 = arith.muli %add3A_77, %mul3A_100 : i32
      %add3A_102 = arith.addi %mul3A_4, %mul3A_101 : i32
      %dma_start3A_103 = tpu.memref_slice %arg4[%add3A_102] : memref<2097152xf32, #tpu.memory_space<hbm>> -> memref<16384xf32, #tpu.memory_space<hbm>>
      %dma_start3A_104 = tpu.memref_slice %arg4[%add3A_102] : memref<2097152xf32, #tpu.memory_space<hbm>> -> memref<16384xf32, #tpu.memory_space<hbm>>
      tpu.enqueue_dma source(%arg8 : memref<16384xf32, #tpu.memory_space<vmem>>) target(%dma_start3A_104 : memref<16384xf32, #tpu.memory_space<hbm>>) target_semaphore(%arg14 : memref<!tpu.dma_semaphore, #tpu.memory_space<semaphore_mem>>)
      %add3A_105 = arith.constant 2 : i32
      %add3A_106 = arith.addi %add3A_77, %add3A_105 : i32
      %lt3A_107 = arith.constant 4 : i32
      %lt3A_108 = arith.cmpi slt, %add3A_106, %lt3A_107 : i32
      %convert_element_type3A_109 = arith.extui %lt3A_108 : i1 to i32
      %cond3A_110 = arith.constant 0 : i32
      %cond3A_111 = arith.cmpi ne, %convert_element_type3A_109, %cond3A_110 : i32
      scf.if %cond3A_111 {
        %add3A_112 = arith.constant 2 : i32
        %add3A_113 = arith.addi %add3A_77, %add3A_112 : i32
        %mul3A_114 = arith.constant 16384 : i32
        %mul3A_115 = arith.muli %add3A_113, %mul3A_114 : i32
        %add3A_116 = arith.addi %mul3A_4, %mul3A_115 : i32
        %add3A_117 = arith.constant 14680064 : i32
        %add3A_118 = arith.addi %add3A_117, %add3A_116 : i32
        %dma_start3A_119 = tpu.memref_slice %arg2[%add3A_118] : memref<16777216xf32, #tpu.memory_space<hbm>> -> memref<16384xf32, #tpu.memory_space<hbm>>
        %dma_start3A_120 = tpu.memref_slice %arg2[%add3A_118] : memref<16777216xf32, #tpu.memory_space<hbm>> -> memref<16384xf32, #tpu.memory_space<hbm>>
        tpu.enqueue_dma source(%dma_start3A_120 : memref<16384xf32, #tpu.memory_space<hbm>>) target(%arg6 : memref<16384xf32, #tpu.memory_space<vmem>>) target_semaphore(%arg12 : memref<!tpu.dma_semaphore, #tpu.memory_space<semaphore_mem>>)
        %add3A_121 = arith.constant 2 : i32
        %add3A_122 = arith.addi %add3A_77, %add3A_121 : i32
        %mul3A_123 = arith.constant 16384 : i32
        %mul3A_124 = arith.muli %add3A_122, %mul3A_123 : i32
        %add3A_125 = arith.addi %mul3A_4, %mul3A_124 : i32
        %add3A_126 = arith.constant 2097152 : i32
        %add3A_127 = arith.addi %add3A_126, %add3A_125 : i32
        %dma_start3A_128 = tpu.memref_slice %arg3[%add3A_127] : memref<4194304xf32, #tpu.memory_space<hbm>> -> memref<16384xf32, #tpu.memory_space<hbm>>
        %dma_start3A_129 = tpu.memref_slice %arg3[%add3A_127] : memref<4194304xf32, #tpu.memory_space<hbm>> -> memref<16384xf32, #tpu.memory_space<hbm>>
        tpu.enqueue_dma source(%dma_start3A_129 : memref<16384xf32, #tpu.memory_space<hbm>>) target(%arg10 : memref<16384xf32, #tpu.memory_space<vmem>>) target_semaphore(%arg16 : memref<!tpu.dma_semaphore, #tpu.memory_space<semaphore_mem>>)
      } else {
      }
    }
    %scan3A_32 = arith.constant 2 : i32
    %add3A_33 = arith.constant 32768 : i32
    %add3A_34 = arith.addi %mul3A_4, %add3A_33 : i32
    %dma_wait3A = tpu.memref_slice %arg4[%add3A_34] : memref<2097152xf32, #tpu.memory_space<hbm>> -> memref<16384xf32, #tpu.memory_space<hbm>>
    %dma_wait3A_35 = tpu.memref_slice %arg4[%add3A_34] : memref<2097152xf32, #tpu.memory_space<hbm>> -> memref<16384xf32, #tpu.memory_space<hbm>>
    tpu.wait_dma2 semaphore(%arg13 : memref<!tpu.dma_semaphore, #tpu.memory_space<semaphore_mem>>) src(%arg7 : memref<16384xf32, #tpu.memory_space<vmem>>) dst(%dma_wait3A_35 : memref<16384xf32, #tpu.memory_space<hbm>>)
    %add3A_36 = arith.constant 49152 : i32
    %add3A_37 = arith.addi %mul3A_4, %add3A_36 : i32
    %dma_wait3A_38 = tpu.memref_slice %arg4[%add3A_37] : memref<2097152xf32, #tpu.memory_space<hbm>> -> memref<16384xf32, #tpu.memory_space<hbm>>
    %dma_wait3A_39 = tpu.memref_slice %arg4[%add3A_37] : memref<2097152xf32, #tpu.memory_space<hbm>> -> memref<16384xf32, #tpu.memory_space<hbm>>
    tpu.wait_dma2 semaphore(%arg14 : memref<!tpu.dma_semaphore, #tpu.memory_space<semaphore_mem>>) src(%arg8 : memref<16384xf32, #tpu.memory_space<vmem>>) dst(%dma_wait3A_39 : memref<16384xf32, #tpu.memory_space<hbm>>)
    return
  }
}

</mosaic_0001>

<sc_bundles>
// kernel: kernel.3.cloned.1.call-start
scs
__scs_entry_jumppad:
0x0: {  	(pc) =	sbr.rel $0x88, $3  }
0x1: {  	(tag) =	ssettag $0x0;
	lr =	simm.s32 $0x1  }
0x2: {  	[smem:$0x3F9F] =	sst lr;
	_ =	strace $0xD0000000  }
0x3: {  	_ = 	snop  }
0x4: {  	_ = 	snop  }
0x5: {  	_ = 	snop  }
0x6: {  	_ = 	snop  }
0x7: {  	_ = 	snop  }
__scs_overlays_trampoline_lowered:
0x8: {  	[smem:$0x3FAE] =	sst s0  }
0x9: {  	[smem:$0x3FAF] =	sst s1  }
0xa: {  	[smem:$0x3FB0] =	sst s2  }
0xb: {  	[smem:$0x3FB1] =	sst s3  }
0xc: {  	[smem:$0x3FB2] =	sst s4  }
0xd: {  	[smem:$0x3FB3] =	sst s5  }
0xe: {  	[smem:$0x3FB4] =	sst s6  }
0xf: {  	[smem:$0x3FB5] =	sst s7  }
0x10: {  	[smem:$0x3FB6] =	sst s8  }
0x11: {  	[smem:$0x3FB7] =	sst s9;
	s0 =	simm.s32 @!p0 $0x0  }
0x12: {  	s1 =	sld [smem:$0x3F9D];
	s0 =	simm.s32 @p0 $0x1  }
0x13: {  	[smem:$0x3FB8] =	sst s0;
	s0 =	simm.s32 @!p1 $0x0  }
0x14: {  	s2 =	sld [smem:$0x3F9C];
	s0 =	simm.s32 @p1 $0x1  }
0x15: {  	[smem:$0x3FB9] =	sst s0;
	s0 =	simm.s32 @!p2 $0x0  }
0x16: {  	s3 =	sld [smem:$0x3FDB];
	s0 =	simm.s32 @p2 $0x1  }
0x17: {  	s4 =	simm.s32 $0x1BF5;
	[smem:$0x3FBB] =	sst s0  }
0x18: {  	s0 =	sld [smem:$0x3F9E];
	_ =	swait.ge [sflag:s4], $0x0  }
0x19: {  	s7 =	sld [smem:$0x3F9F]  }
0x1a: {  	s8 =	sadd.s32 $0xFFFFE003, lr  }
0x1b: {  	s9 =	sadd.s32 $0xFFFFFEF7, lr;
	s5 =	simm.s32 $0xFFFFFFFF;
	p2 =	slt.u32 s8, $0xFFFFF086  }
0x1c: {  	p1 =	slt.u32 s9, $0xF7A;
	s5 =	simm.s32 @!p2 $0x0  }
0x1d: {  	s5 =	simm.s32 @p1 $0x1;
	p0 =	seq.s32 s7, s2  }
0x1e: {  	s7 =	smul.u32 @!p0 $0xF7A, s2;
	p2 =	seq.s32 @!p0 s5, $0x0  }
0x1f: {  	s9 =	smul.u32 $0xF7A, s1;
	s8 =	simm.s32 @!p0 $0x1BF5;
	p2 =	por !p2, p0  }
0x20: {  	[sflag:s8] =	ssyncset.s32 @!p0 $0xFFFFF086;
	s6 =	sadd.s32 @!p0 s3, s7;
	s7 =	simm.s32 @!p0 $0x108  }
0x21: {  	s3 =	sadd.s32 s3, s9;
	s6 =	sadd.s32 @!p0 $0x88, s6;
	s7 =	simm.s32 @p2 $0x1082  }
0x22: {  	[simem:s7], [sflag:s8] =	dma.local @!p0 [hbm:s6], $0xF7A  }
0x23: {  	s9 =	sor.u32 $0xD0000000, s2;
	s6 =	simm.s32 $0x108;
	_ =	swait.ge @!p0 [sflag:s8], $0x0  }
0x24: {  	s3 =	sadd.s32 $0x88, s3;
	s6 =	simm.s32 @!p1 $0x1082;
	[sflag:s4] =	ssyncset.s32 $0xFFFFF086  }
0x25: {  	[simem:s6], [sflag:s4] =	dma.local [hbm:s3], $0xF7A  }
0x26: {  	[smem:$0x3F9F] =	sst s1;
	(tag) =	ssettag s2;
	_ =	strace s9  }
0x27: {  	s1 =	sld [smem:$0x3FAF]  }
0x28: {  	s2 =	sld [smem:$0x3FB0]  }
0x29: {  	s4 =	sld [smem:$0x3FB2]  }
0x2a: {  	p0 =	seq.s32 s5, $0x0;
	s5 =	sld [smem:$0x3FB3]  }
0x2b: {  	s6 =	sld [smem:$0x3FB4]  }
0x2c: {  	s7 =	sld [smem:$0x3FB5]  }
0x2d: {  	s3 =	simm.s32 $0x108;
	s8 =	sld [smem:$0x3FB6]  }
0x2e: {  	s3 =	simm.s32 @!p0 $0x1082;
	s9 =	sld [smem:$0x3FB7]  }
0x2f: {  	lr =	sadd.s32 s0, s3;
	s0 =	sld [smem:$0x3FAE]  }
0x30: {  	s3 =	sld [smem:$0x3FB1]  }
0x31: {  	[smem:$0x3FBA] =	sst s10  }
0x32: {  	s10 =	sld [smem:$0x3FB8];
	_ =	sdelay $0x3  }
0x33: {  	p0 =	seq.s32 s10, $0x1;
	s10 =	sld [smem:$0x3FBA];
	_ =	sdelay $0x3  }
0x34: {  	[smem:$0x3FBA] =	sst s10  }
0x35: {  	s10 =	sld [smem:$0x3FB9];
	_ =	sdelay $0x3  }
0x36: {  	p1 =	seq.s32 s10, $0x1;
	s10 =	sld [smem:$0x3FBA];
	_ =	sdelay $0x3  }
0x37: {  	[smem:$0x3FBA] =	sst s10  }
0x38: {  	s10 =	sld [smem:$0x3FBB]  }
0x39: {  	_ = 	snop;
	(pc) =	sbr.ind lr, $3  }
0x3a: {  	_ = 	snop  }
0x3b: {  	_ = 	snop  }
0x3c: {  	p2 =	seq.s32 s10, $0x1;
	s10 =	sld [smem:$0x3FBA]  }
0x3d: {  	_ =	shalt  }
0x3e: {  	_ =	shalt  }
0x3f: {  	_ =	shalt  }
0x40: {  	_ =	shalt  }
0x41: {  	_ =	shalt  }
0x42: {  	_ =	shalt  }
0x43: {  	_ =	shalt  }
0x44: {  	_ =	shalt  }
0x45: {  	_ =	shalt  }
0x46: {  	_ =	shalt  }
0x47: {  	_ =	shalt  }
0x48: {  	_ =	shalt  }
0x49: {  	_ =	shalt  }
0x4a: {  	_ =	shalt  }
0x4b: {  	_ =	shalt  }
0x4c: {  	_ =	shalt  }
0x4d: {  	_ =	shalt  }
0x4e: {  	_ =	shalt  }
0x4f: {  	_ =	shalt  }
0x50: {  	_ =	shalt  }
0x51: {  	_ =	shalt  }
0x52: {  	_ =	shalt  }
0x53: {  	_ =	shalt  }
0x54: {  	_ =	shalt  }
0x55: {  	_ =	shalt  }
0x56: {  	_ =	shalt  }
0x57: {  	_ =	shalt  }
0x58: {  	_ =	shalt  }
0x59: {  	_ =	shalt  }
0x5a: {  	_ =	shalt  }
0x5b: {  	_ =	shalt  }
0x5c: {  	_ =	shalt  }
0x5d: {  	_ =	shalt  }
0x5e: {  	_ =	shalt  }
0x5f: {  	_ =	shalt  }
0x60: {  	_ =	shalt  }
0x61: {  	_ =	shalt  }
0x62: {  	_ =	shalt  }
0x63: {  	_ =	shalt  }
0x64: {  	_ =	shalt  }
0x65: {  	_ =	shalt  }
0x66: {  	_ =	shalt  }
0x67: {  	_ =	shalt  }
0x68: {  	_ =	shalt  }
0x69: {  	_ =	shalt  }
0x6a: {  	_ =	shalt  }
0x6b: {  	_ =	shalt  }
0x6c: {  	_ =	shalt  }
0x6d: {  	_ =	shalt  }
0x6e: {  	_ =	shalt  }
0x6f: {  	_ =	shalt  }
0x70: {  	_ =	shalt  }
0x71: {  	_ =	shalt  }
0x72: {  	_ =	shalt  }
0x73: {  	_ =	shalt  }
0x74: {  	_ =	shalt  }
0x75: {  	_ =	shalt  }
0x76: {  	_ =	shalt  }
0x77: {  	_ =	shalt  }
0x78: {  	_ =	shalt  }
0x79: {  	_ =	shalt  }
0x7a: {  	_ =	shalt  }
0x7b: {  	_ =	shalt  }
0x7c: {  	_ =	shalt  }
0x7d: {  	_ =	shalt  }
0x7e: {  	_ =	shalt  }
0x7f: {  	_ =	shalt  }
0x80: {  	_ =	shalt  }
0x81: {  	_ =	shalt  }
0x82: {  	_ =	shalt  }
0x83: {  	_ =	shalt  }
0x84: {  	_ =	shalt  }
0x85: {  	_ =	shalt  }
0x86: {  	_ =	shalt  }
0x87: {  	_ =	shalt  }
.Lfunc_end0:
.L_simem_size_0:
called_computation.2_lowered:
.L_overlay_start_0:
0x88: {  	s2 =	sld [smem:$0x3FD9]  }
0x89: {  	s3 =	sld [smem:$0x3FFE];
	_ =	sdelay $0x1  }
0x8a: {  	s1 =	srdreg.scid  }
0x8b: {  	s0 =	sand.u32 $0x1, s1  }
0x8c: {  	s17 =	sshll.u32 s0, $0xA;
	s2 =	sadd.s32 s3, s2  }
0x8d: {  	s2 =	sadd.s32 s2, s17  }
0x8e: {  	[smem:$0x3FC6] =	sst s2  }
0x8f: {  	_ = 	snop  }
0x90: {  	s18 =	sld [smem:$0x3FD0];
	(tm) =	ssettm $0x1  }
0x91: {  	s19 =	sld [smem:$0x3FFB];
	_ =	sdelay $0x3  }
0x92: {  	_ =	strace s19  }
0x93: {  	s2 =	sld [smem:$0x3FFC];
	_ =	sdelay $0x3  }
0x94: {  	_ =	strace s2  }
0x95: {  	s2 =	sld [smem:$0x3FFD];
	_ =	sdelay $0x3  }
0x96: {  	_ =	strace s2  }
0x97: {  	_ =	strace $0x8FFFFFFF  }
0x98: {  	s20 =	sld [smem:$0x3FDB];
	_ =	sdelay $0x1  }
0x99: {  	s4 =	simm.s32 $_scs_section_size  }
0x9a: {  	s5 =	simm.s32 $_size__tile_overlayer_lowered;
	s6 =	simm.s32 $_tile_overlayer_lowered  }
0x9b: {  	s7 =	simm.s32 $0x1BFF;
	s21 =	sshll.u32 s6, $0x1;
	s4 =	sadd.s32 s4, s20  }
0x9c: {  	s22 =	simm.s32 $0x0;
	s5 =	sshll.u32 s5, $0x1;
	s6 =	sadd.s32 s21, s4  }
0x9d: {  	[timem:s22], [sflag:s7] =	dma.local [hbm:s6], s5  }
0x9e: {  	_ =	swait.ge [sflag:s7], s5  }
0x9f: {  	s5 =	ssub.s32 $0x0, s5;
	[sflag:s7] =	ssyncset.done $0x0  }
0xa0: {  	[sflag:s7] =	ssyncadd.s32 s5;
	_ =	sdelay $0x1  }
0xa1: {  	s23 =	simm.s32 $0x1B8B  }
0xa2: {  	_ =	swait.ge [sflag:s23], $0x1  }
0xa3: {  	[sflag:s23] =	ssyncset.done $0x0  }
0xa4: {  	[sflag:s23] =	ssyncadd.s32 $0xFFFFFFFF  }
0xa5: {  	s5 =	sld [smem:$0x0]  }
0xa6: {  	s6 =	sand.u32 $0xFFFFFFFE, s1  }
0xa7: {  	p0 =	sne.s32 s1, s6  }
0xa8: {  	s6 =	sshll.u32 @p0 s6, $0xE  }
0xa9: {  	s6 =	sadd.s32 @p0 $0x11B8D, s6;
	s7 =	sshll.u32 @p0 s5, $0x11  }
0xaa: {  	s6 =	sor.u32 @p0 s7, s6  }
0xab: {  	[sflag:s6] =	ssyncadd.remote.s32 @p0 $0x1;
	_ =	sdelay $0x1  }
0xac: {  	s6 =	simm.s32 @p0 $0x1B8D  }
0xad: {  	_ =	swait.eq @p0 [sflag:s6], $0x1  }
0xae: {  	[sflag:s6] =	ssyncadd.s32 @p0 $0xFFFFFFFF  }
0xaf: {  	s7 =	sshll.u32 @!p0 s1, $0xE  }
0xb0: {  	s7 =	sor.u32 @!p0 $0x4000, s7;
	s6 =	simm.s32 @!p0 $0x1B8D  }
0xb1: {  	s5 =	sshll.u32 @!p0 s5, $0x11;
	s7 =	sadd.s32 @!p0 $0x11B8D, s7;
	_ =	swait.eq @!p0 [sflag:s6], $0x1  }
0xb2: {  	s5 =	sor.u32 @!p0 s5, s7;
	[sflag:s6] =	ssyncadd.s32 @!p0 $0xFFFFFFFF  }
0xb3: {  	s25 =	simm.s32 $0x1B8E;
	s24 =	sld [smem:$0x3FFE];
	[sflag:s5] =	ssyncadd.remote.s32 @!p0 $0x1  }
0xb4: {  	s26 =	simm.s32 $execute0_lowered;
	[smem:$0x3FD2] =	sst s25  }
0xb5: {  	s6 =	sshll.u32 s26, $0x1;
	_ =	strace $0x8000004C;
	[dreg:$0x1] =	wrdreg $0xFFFFFFFF  }
0xb6: {  	s28 =	simm.s32 $_size_execute0_lowered;
	s4 =	sadd.s32 s4, s6;
	[dreg:$0x0] =	wrdreg $0x0  }
0xb7: {  	s6 =	sshll.u32 s28, $0x1;
	[dreg:$0x2] =	wrdreg s4  }
0xb8: {  	[dreg:$0x3] =	wrdreg s6  }
0xb9: {  	[dreg:$0x4] =	wrdreg $0xC0  }
0xba: {  	_ =	task [dreg:s22], $0x5FFFF  }
0xbb: {  	[dreg:$0x1] =	wrdreg $0xFFFFFFFF  }
0xbc: {  	[dreg:$0x0] =	wrdreg $0x60  }
0xbd: {  	[dreg:$0x2] =	wrdreg s18  }
0xbe: {  	[dreg:$0x3] =	wrdreg s24  }
0xbf: {  	[dreg:$0x4] =	wrdreg $0xA  }
0xc0: {  	_ =	task.clear_ibuf [dreg:s22], $0x5FFFF;
	_ =	strace $0x9000004C  }
0xc1: {  	s29 =	simm.s32 $0xA;
	_ =	strace $0x8000004E  }
0xc2: {  	_ =	swait.ge [sflag:s29], $0x1  }
0xc3: {  	[sflag:s29] =	ssyncadd.s32 $0xFFFFFFFF  }
0xc4: {  	_ =	strace $0x9000004E  }
0xc5: {  	_ =	sfence  }
0xc6: {  	s30 =	sld [smem:$0x0];
	_ =	sdelay $0x2  }
0xc7: {  	s31 =	sshll.u32 s1, $0xD;
	s1 =	sshrl.u32 s1, $0x2  }
0xc8: {  	s4 =	sand.u32 $0x4000, s31;
	s1 =	sadd.s32 s1, s30  }
0xc9: {  	s0 =	sor.u32 s4, s0;
	s1 =	sshll.u32 s1, $0x11  }
0xca: {  	s0 =	sor.u32 s1, s0  }
0xcb: {  	s0 =	sadd.s32 $0x8F2B, s0  }
0xcc: {  	[sflag:s0] =	ssyncadd.remote.s32 $0x1  }
0xcd: {  	_ =	sfence.sel $0xFFFF  }
0xce: {  	[dreg:$0x0] =	wrdreg $0xFFFFFFFF;
	(pc) =	sbr.abs _section_cstart, $3  }
0xcf: {  	[dreg:$0x1] =	wrdreg $0xFFFFFFFF  }
0xd0: {  	_ =	task.clear_ibuf [dreg:s22], $0x2FFFF;
	_ =	strace $0x9FFFFFFF  }
0xd1: {  	(tm) =	ssettm $0x7FFFFFFF  }
tec
execute0_lowered:
.L_overlay_start_1:
0x0: {  	(tag) =	ssettag $0x1  }
0x1: {  	s5 =	rddreg [dreg:$0x0]  }
0x2: {  	s4 =	rddreg [dreg:$0x1];
	s2 =	srdreg.scid  }
0x3: {  	s0 =	rddreg [dreg:$0x2];
	s1 =	stileid.u32  }
0x4: {  	s14 =	simm.s32 $0x10000;
	s15 =	simm.s32 $0x4000;
	s16 =	simm.s32 $0x14000  }
0x5: {  	s17 =	simm.s32 $0x1;
	s18 =	simm.s32 $0x5;
	s19 =	simm.s32 $0x8000  }
0x6: {  	s20 =	simm.s32 $0x2;
	s21 =	simm.s32 $0x6;
	s22 =	simm.s32 $0xC000  }
0x7: {  	s23 =	simm.s32 $0x3;
	s24 =	simm.s32 $0x4;
	s6 =	sand.u32 $0x1, s2  }
0x8: {  	s2 =	simm.s32 $0x0;
	s3 =	sshll.u32 s1, $0x11;
	s7 =	sshll.u32 s6, $0x10  }
0x9: {  	s25 =	simm.s32 $0x0;
	[smem:$0x7FF] =	sst s2;
	s3 =	sor.u32 s7, s3  }
0xa: {  	s6 =	ssub.s32 $0x2, s6;
	_ =	strace $0x8000004D;
	s7 =	sshrl.u32 s3, $0x3  }
.Ltmp0:
0xb: {  	s8 =	sshrl.u32 s6, $0x1;
	s12 =	sadd.s32 s7, s4;
	(pc) =	sbr.rel .LBB2_1-.Ltmp0, $4  }
0xc: {  	s4 =	sadd.s32 $0x401C00, s4;
	s11 =	sadd.s32 s7, s5;
	s5 =	sadd.s32 $0x3C1C00, s12  }
0xd: {  	s13 =	ssub.s32 s6, s8;
	s6 =	sadd.s32 $0x1C0800, s11;
	s7 =	sadd.s32 $0x3C2400, s12  }
0xe: {  	s8 =	sadd.s32 $0x1C0000, s11;
	s9 =	sadd.s32 $0x1C1000, s11;
	s10 =	sadd.s32 $0x3C2C00, s12  }
0xf: {  	s13 =	smax.u32 s13, $0x1;
	s11 =	sadd.s32 $0x1C1800, s11;
	s12 =	sadd.s32 $0x3C3400, s12  }
.LBB2_8:
0x10: {  	s25 =	sadd.s32 $0x1, s25  }
0x11: {  	_ =	swait.ge [sflag:s23], $0x4000;
	p0 =	sne.s32 s25, s13  }
.Ltmp1:
0x12: {  	[sflag:s23] =	ssyncset.done $0x0;
	(pc) =	sbr.rel @!p0 .LBB2_9-.Ltmp1, $4  }
0x13: {  	[sflag:s23] =	ssyncadd.s32 $0xFFFFC000  }
0x14: {  	_ =	swait.ge [sflag:s24], $0x4000  }
0x15: {  	[sflag:s24] =	ssyncset.done $0x0  }
0x16: {  	[sflag:s24] =	ssyncadd.s32 $0xFFFFC000  }
.LBB2_1:
0x17: {  	[tilespmem:s2], [sflag:$0x1] =	stream.linear.gather [hbm4b:s8+s2], $0x4000, $0x38;
	[tilespmem:$0x18000] =	vst v63  }
0x18: {  	_ = 	snop  }
0x19: {  	[tilespmem:s14], [sflag:$0x5] =	stream.linear.gather [hbm4b:s5+s2], $0x4000, $0x38;
	[tilespmem:$0x18000] =	vst v63  }
0x1a: {  	p0 =	por $0x1, $0x1;
	s28 =	smov.u32 s7;
	s26 =	simm.s32 $0x0  }
0x1b: {  	[tilespmem:s15], [sflag:$0x2] =	stream.linear.gather [hbm4b:s6+s2], $0x4000, $0x38;
	[tilespmem:$0x18000] =	vst v63  }
.LBB2_2:
0x1c: {  	[tilespmem:s16], [sflag:$0x6] =	stream.linear.gather [hbm4b:s28+s2], $0x4000, $0x38;
	[tilespmem:$0x18000] =	vst v63  }
0x1d: {  	s28 =	simm.s32 @!p0 $0x3  }
0x1e: {  	_ =	swait.ge @!p0 [sflag:s28], $0x4000  }
0x1f: {  	[sflag:s28] =	ssyncset.done @!p0 $0x0  }
0x20: {  	[sflag:s28] =	ssyncadd.s32 @!p0 $0xFFFFC000  }
0x21: {  	_ =	swait.ge [sflag:s17], $0x4000  }
0x22: {  	[sflag:s17] =	ssyncset.done $0x0  }
0x23: {  	[sflag:s17] =	ssyncadd.s32 $0xFFFFC000  }
0x24: {  	_ =	swait.ge [sflag:s18], $0x4000  }
0x25: {  	[sflag:s18] =	ssyncset.done $0x0  }
0x26: {  	s31 =	simm.s32 $0x40;
	[sflag:s18] =	ssyncadd.s32 $0xFFFFC000  }
0x27: {  	s28 =	simm.s32 $0x10040;
	v1 =	vld [tilespmem:s31+$0x30]  }
0x28: {  	v2 =	vld [tilespmem:s28+$0x30]  }
0x29: {  	v0 =	vld [tilespmem:s28+$0xFFFFFFC0]  }
0x2a: {  	v3 =	vld [tilespmem:s31+$0xFFFFFFD0]  }
0x2b: {  	v4 =	vld [tilespmem:s28+$0xFFFFFFD0]  }
0x2c: {  	v5 =	vld [tilespmem:s31+$0xFFFFFFE0]  }
0x2d: {  	v6 =	vld [tilespmem:s28+$0xFFFFFFE0]  }
0x2e: {  	v7 =	vld [tilespmem:s31+$0xFFFFFFF0]  }
0x2f: {  	v8 =	vld [tilespmem:s28+$0xFFFFFFF0]  }
0x30: {  	v9 =	vld [tilespmem:s31+$0x0]  }
0x31: {  	v10 =	vld [tilespmem:s28+$0x0];
	v2 =	vadd.f32 v2, v1  }
0x32: {  	s29 =	simm.s32 $0x8040;
	v4 =	vadd.f32 v4, v3;
	v1 =	vld [tilespmem:s31+$0x10]  }
0x33: {  	v5 =	vadd.f32 v6, v5;
	v3 =	vld [tilespmem:s28+$0x10];
	[tilespmem:s29+$0x30] =	vst v2  }
0x34: {  	v6 =	vadd.f32 v8, v7;
	[tilespmem:s29+$0xFFFFFFD0] =	vst v4;
	v2 =	vld [tilespmem:s31+$0x20]  }
0x35: {  	[tilespmem:s29+$0xFFFFFFE0] =	vst v5;
	v5 =	vld [tilespmem:s28+$0x20]  }
0x36: {  	s30 =	simm.s32 $0x0;
	v4 =	vld [tilespmem:s31+$0xFFFFFFC0];
	[tilespmem:s29+$0xFFFFFFF0] =	vst v6;
	v6 =	vadd.f32 v10, v9;
	s31 =	simm.s32 $0xC0  }
.LBB2_3:
0x37: {  	v7 =	vld [tilespmem:s31+$0x30];
	s28 =	sadd.s32 $0x80, s28  }
0x38: {  	s30 =	sadd.s32 $0x8, s30;
	v8 =	vld [tilespmem:s28+$0x30];
	[tilespmem:s29+$0x0] =	vst v6;
	v1 =	vadd.f32 v3, v1  }
0x39: {  	p1 =	slt.u32 s30, $0x3F8;
	v3 =	vld [tilespmem:s28+$0xFFFFFFC0]  }
0x3a: {  	v6 =	vld [tilespmem:s31+$0xFFFFFFD0];
	[tilespmem:s29+$0x10] =	vst v1;
	v1 =	vadd.f32 v5, v2  }
0x3b: {  	v2 =	vld [tilespmem:s28+$0xFFFFFFD0];
	v9 =	vadd.f32 v0, v4  }
0x3c: {  	v4 =	vld [tilespmem:s31+$0xFFFFFFE0];
	[tilespmem:s29+$0x20] =	vst v1  }
0x3d: {  	v1 =	vld [tilespmem:s28+$0xFFFFFFE0];
	v5 =	vadd.f32 v8, v7;
	[tilespmem:s29+$0xFFFFFFC0] =	vst v9  }
0x3e: {  	s29 =	sadd.s32 $0x80, s29;
	v7 =	vld [tilespmem:s31+$0xFFFFFFF0];
	v0 =	vmov v3  }
0x3f: {  	v8 =	vld [tilespmem:s28+$0xFFFFFFF0];
	[tilespmem:s29+$0x30] =	vst v5  }
0x40: {  	v2 =	vadd.f32 v2, v6;
	v6 =	vld [tilespmem:s31+$0x0]  }
0x41: {  	v9 =	vld [tilespmem:s28+$0x0]  }
.Ltmp2:
0x42: {  	[tilespmem:s29+$0xFFFFFFD0] =	vst v2;
	v2 =	vadd.f32 v1, v4;
	v1 =	vld [tilespmem:s31+$0x10];
	(pc) =	sbr.rel @p1 .LBB2_3-.Ltmp2, $4  }
0x43: {  	v3 =	vld [tilespmem:s28+$0x10]  }
0x44: {  	[tilespmem:s29+$0xFFFFFFE0] =	vst v2;
	v7 =	vadd.f32 v8, v7;
	v2 =	vld [tilespmem:s31+$0x20]  }
0x45: {  	v5 =	vld [tilespmem:s28+$0x20]  }
0x46: {  	v4 =	vld [tilespmem:s31+$0xFFFFFFC0];
	[tilespmem:s29+$0xFFFFFFF0] =	vst v7;
	v6 =	vadd.f32 v9, v6;
	s31 =	sadd.s32 $0x80, s31  }
0x47: {  	_ =	sdelay $0x1  }
0x48: {  	v1 =	vadd.f32 v3, v1  }
0x49: {  	[tilespmem:s29+$0x0] =	vst v6;
	v2 =	vadd.f32 v5, v2  }
0x4a: {  	s26 =	sor.u32 s3, s26;
	[tilespmem:s29+$0x10] =	vst v1;
	v0 =	vadd.f32 v0, v4  }
0x4b: {  	s26 =	sshrl.u32 s26, $0x3;
	[tilespmem:s29+$0x20] =	vst v2  }
0x4c: {  	s28 =	sadd.s32 s4, s26;
	[tilespmem:s29+$0xFFFFFFC0] =	vst v0  }
0x4d: {  	[hbm4b:s28+s2] =	stream.linear.scatter [tilespmem:s19], [sflag:$0x3], $0x4000, $0x38;
	[tilespmem:$0x18000] =	vst v63  }
0x4e: {  	s28 =	simm.s32 @!p0 $0x4  }
0x4f: {  	_ =	swait.ge @!p0 [sflag:s28], $0x4000  }
0x50: {  	[sflag:s28] =	ssyncset.done @!p0 $0x0  }
0x51: {  	[sflag:s28] =	ssyncadd.s32 @!p0 $0xFFFFC000;
	s28 =	simm.s32 @p0 $0x0  }
0x52: {  	[tilespmem:s28], [sflag:$0x1] =	stream.linear.gather @p0 [hbm4b:s9+s28], $0x4000, $0x38;
	[tilespmem:$0x18000] =	vst v63  }
0x53: {  	s29 =	simm.s32 @p0 $0x10000  }
0x54: {  	[tilespmem:s29], [sflag:$0x5] =	stream.linear.gather @p0 [hbm4b:s10+s28], $0x4000, $0x38;
	[tilespmem:$0x18000] =	vst v63  }
0x55: {  	_ =	swait.ge [sflag:s20], $0x4000  }
0x56: {  	[sflag:s20] =	ssyncset.done $0x0  }
0x57: {  	[sflag:s20] =	ssyncadd.s32 $0xFFFFC000  }
0x58: {  	_ =	swait.ge [sflag:s21], $0x4000  }
0x59: {  	[sflag:s21] =	ssyncset.done $0x0  }
0x5a: {  	s31 =	simm.s32 $0x4040;
	[sflag:s21] =	ssyncadd.s32 $0xFFFFC000  }
0x5b: {  	s28 =	simm.s32 $0x14040;
	v1 =	vld [tilespmem:s31+$0x30]  }
0x5c: {  	v2 =	vld [tilespmem:s28+$0x30]  }
0x5d: {  	v0 =	vld [tilespmem:s28+$0xFFFFFFC0]  }
0x5e: {  	v3 =	vld [tilespmem:s31+$0xFFFFFFD0]  }
0x5f: {  	v4 =	vld [tilespmem:s28+$0xFFFFFFD0]  }
0x60: {  	v5 =	vld [tilespmem:s31+$0xFFFFFFE0]  }
0x61: {  	v6 =	vld [tilespmem:s28+$0xFFFFFFE0]  }
0x62: {  	v7 =	vld [tilespmem:s31+$0xFFFFFFF0]  }
0x63: {  	v8 =	vld [tilespmem:s28+$0xFFFFFFF0]  }
0x64: {  	v9 =	vld [tilespmem:s31+$0x0]  }
0x65: {  	v10 =	vld [tilespmem:s28+$0x0];
	v2 =	vadd.f32 v2, v1  }
0x66: {  	s29 =	simm.s32 $0xC040;
	v4 =	vadd.f32 v4, v3;
	v1 =	vld [tilespmem:s31+$0x10]  }
0x67: {  	v5 =	vadd.f32 v6, v5;
	v3 =	vld [tilespmem:s28+$0x10];
	[tilespmem:s29+$0x30] =	vst v2  }
0x68: {  	v6 =	vadd.f32 v8, v7;
	[tilespmem:s29+$0xFFFFFFD0] =	vst v4;
	v2 =	vld [tilespmem:s31+$0x20]  }
0x69: {  	[tilespmem:s29+$0xFFFFFFE0] =	vst v5;
	v5 =	vld [tilespmem:s28+$0x20]  }
0x6a: {  	s30 =	simm.s32 $0x0;
	v4 =	vld [tilespmem:s31+$0xFFFFFFC0];
	[tilespmem:s29+$0xFFFFFFF0] =	vst v6;
	v6 =	vadd.f32 v10, v9;
	s31 =	simm.s32 $0x40C0  }
.LBB2_5:
0x6b: {  	v7 =	vld [tilespmem:s31+$0x30];
	s28 =	sadd.s32 $0x80, s28  }
0x6c: {  	s30 =	sadd.s32 $0x8, s30;
	v8 =	vld [tilespmem:s28+$0x30];
	[tilespmem:s29+$0x0] =	vst v6;
	v1 =	vadd.f32 v3, v1  }
0x6d: {  	p1 =	slt.u32 s30, $0x3F8;
	v3 =	vld [tilespmem:s28+$0xFFFFFFC0]  }
0x6e: {  	v6 =	vld [tilespmem:s31+$0xFFFFFFD0];
	[tilespmem:s29+$0x10] =	vst v1;
	v1 =	vadd.f32 v5, v2  }
0x6f: {  	v2 =	vld [tilespmem:s28+$0xFFFFFFD0];
	v9 =	vadd.f32 v0, v4  }
0x70: {  	v4 =	vld [tilespmem:s31+$0xFFFFFFE0];
	[tilespmem:s29+$0x20] =	vst v1  }
0x71: {  	v1 =	vld [tilespmem:s28+$0xFFFFFFE0];
	v5 =	vadd.f32 v8, v7;
	[tilespmem:s29+$0xFFFFFFC0] =	vst v9  }
0x72: {  	s29 =	sadd.s32 $0x80, s29;
	v7 =	vld [tilespmem:s31+$0xFFFFFFF0];
	v0 =	vmov v3  }
0x73: {  	v8 =	vld [tilespmem:s28+$0xFFFFFFF0];
	[tilespmem:s29+$0x30] =	vst v5  }
0x74: {  	v2 =	vadd.f32 v2, v6;
	v6 =	vld [tilespmem:s31+$0x0]  }
0x75: {  	v9 =	vld [tilespmem:s28+$0x0]  }
.Ltmp3:
0x76: {  	[tilespmem:s29+$0xFFFFFFD0] =	vst v2;
	v2 =	vadd.f32 v1, v4;
	v1 =	vld [tilespmem:s31+$0x10];
	(pc) =	sbr.rel @p1 .LBB2_5-.Ltmp3, $4  }
0x77: {  	v3 =	vld [tilespmem:s28+$0x10]  }
0x78: {  	[tilespmem:s29+$0xFFFFFFE0] =	vst v2;
	v7 =	vadd.f32 v8, v7;
	v2 =	vld [tilespmem:s31+$0x20]  }
0x79: {  	v5 =	vld [tilespmem:s28+$0x20]  }
0x7a: {  	v4 =	vld [tilespmem:s31+$0xFFFFFFC0];
	[tilespmem:s29+$0xFFFFFFF0] =	vst v7;
	v6 =	vadd.f32 v9, v6;
	s31 =	sadd.s32 $0x80, s31  }
0x7b: {  	_ =	sdelay $0x1  }
0x7c: {  	v1 =	vadd.f32 v3, v1  }
.Ltmp4:
0x7d: {  	[tilespmem:s29+$0x0] =	vst v6;
	v2 =	vadd.f32 v5, v2;
	(pc) =	sbr.rel @!p0 .LBB2_8-.Ltmp4, $4  }
0x7e: {  	[tilespmem:s29+$0x10] =	vst v1;
	v0 =	vadd.f32 v0, v4  }
0x7f: {  	s26 =	sadd.s32 s26, s4;
	[tilespmem:s29+$0x20] =	vst v2  }
0x80: {  	s26 =	sadd.s32 $0x800, s26;
	[tilespmem:s29+$0xFFFFFFC0] =	vst v0  }
0x81: {  	[hbm4b:s26+s2] =	stream.linear.scatter [tilespmem:s22], [sflag:$0x4], $0x4000, $0x38;
	[tilespmem:$0x18000] =	vst v63  }
.Ltmp5:
0x82: {  	(pc) =	sbr.rel .LBB2_2-.Ltmp5, $3  }
0x83: {  	_ =	sdelay $0x1  }
0x84: {  	[tilespmem:s15], [sflag:$0x2] =	stream.linear.gather [hbm4b:s11+s2], $0x4000, $0x38;
	[tilespmem:$0x18000] =	vst v63  }
0x85: {  	s26 =	simm.s32 $0x8000;
	p0 =	por $0x0, $0x0;
	s28 =	smov.u32 s12  }
.LBB2_9:
0x86: {  	_ =	sfence.sel $0x180000  }
0x87: {  	[bflag:$0x0] =	sbarrier.arrive $0xFFFF  }
0x88: {  	p0 =	sne.s32 s1, $0x0;
	_ =	strace $0x9000004D  }
0x89: {  	s0 =	sadd.s32 @!p0 $0x100000, s0;
	[bflag:$0x2] =	sbarrier.arrive $0xFFFF  }
0x8a: {  	[sflag:s0] =	ssyncadd.tile.s32 @!p0 $0x1;
	_ =	shalt  }
.Lfunc_end2:
_tile_overlayer_lowered:
.L_overlay_start_2:
0x8b: {  	(tag) =	ssettag $0x2  }
0x8c: {  	s0 =	rddreg [dreg:$0x0];
	s2 =	stileid.u32  }
0x8d: {  	s1 =	rddreg [dreg:$0x1];
	p0 =	sne.s32 s2, $0x0  }
0x8e: {  	s3 =	rddreg [dreg:$0x2];
	[bflag:$0x3] =	sbarrier.arrive $0xFFFF;
	s2 =	simm.s32 @!p0 $0x1C07  }
0x8f: {  	[timem:s3], [sflag:s2] =	dma.local @!p0 [hbm:s0], s1  }
0x90: {  	s0 =	simm.s32 @!p0 $0x7  }
0x91: {  	_ =	swait.ge @!p0 [sflag:s0], s1  }
0x92: {  	s1 =	ssub.s32 @!p0 $0x0, s1;
	[sflag:s0] =	ssyncset.done @!p0 $0x0  }
0x93: {  	[sflag:s0] =	ssyncadd.s32 @!p0 s1  }
0x94: {  	[bflag:$0x3] =	sbarrier.arrive $0xFFFF  }
0x95: {  	_ =	shalt  }

// kernel: sparse-core-data-format-call.1.cloned.1.call-start
scs
called_computation.1_lowered:
.L_overlay_start_0:
0x0: {  	s2 =	sld [smem:$0x3FD9]  }
0x1: {  	s3 =	sld [smem:$0x3FFE];
	_ =	sdelay $0x1  }
0x2: {  	s1 =	srdreg.scid  }
0x3: {  	s0 =	sand.u32 $0x1, s1  }
0x4: {  	s19 =	sshll.u32 s0, $0xA;
	s2 =	sadd.s32 s3, s2  }
0x5: {  	s2 =	sadd.s32 s2, s19  }
0x6: {  	[smem:$0x3FC6] =	sst s2  }
0x7: {  	_ = 	snop  }
0x8: {  	s2 =	sld [smem:$0x3FC9]  }
0x9: {  	s20 =	sld [smem:$0x3FD0];
	(tm) =	ssettm $0x1  }
0xa: {  	s4 =	sld [smem:$0x3FFB];
	_ =	sdelay $0x3  }
0xb: {  	_ =	strace s4  }
0xc: {  	s4 =	sld [smem:$0x3FFC];
	_ =	sdelay $0x3  }
0xd: {  	_ =	strace s4  }
0xe: {  	s4 =	sld [smem:$0x3FFD];
	_ =	sdelay $0x3  }
0xf: {  	_ =	strace s4  }
0x10: {  	_ =	strace $0x8FFFFFFF  }
0x11: {  	s21 =	sld [smem:$0x3FDB];
	_ =	sdelay $0x1  }
0x12: {  	s5 =	simm.s32 $_scs_section_size  }
0x13: {  	s6 =	simm.s32 $_size__tile_overlayer_lowered;
	s7 =	simm.s32 $_tile_overlayer_lowered  }
0x14: {  	s24 =	simm.s32 $0x1BFF;
	s23 =	sshll.u32 s7, $0x1;
	s4 =	sadd.s32 s5, s21  }
0x15: {  	s8 =	simm.s32 $0x0;
	s22 =	sshll.u32 s6, $0x1;
	s6 =	sadd.s32 s23, s4  }
0x16: {  	[timem:s8], [sflag:s24] =	dma.local [hbm:s6], s22  }
0x17: {  	_ =	swait.ge [sflag:s24], s22  }
0x18: {  	s5 =	ssub.s32 $0x0, s22;
	[sflag:s24] =	ssyncset.done $0x0  }
0x19: {  	[sflag:s24] =	ssyncadd.s32 s5;
	_ =	sdelay $0x1  }
0x1a: {  	s25 =	simm.s32 $0x1B8B  }
0x1b: {  	_ =	swait.ge [sflag:s25], $0x1  }
0x1c: {  	[sflag:s25] =	ssyncset.done $0x0  }
0x1d: {  	s26 =	simm.s32 $0x1B8E;
	[sflag:s25] =	ssyncadd.s32 $0xFFFFFFFF  }
0x1e: {  	s27 =	simm.s32 $execute0_lowered;
	[smem:$0x3FD2] =	sst s26  }
0x1f: {  	s5 =	sshll.u32 s27, $0x1;
	_ =	strace $0x80000046;
	[dreg:$0x1] =	wrdreg $0xFFFFFFFF  }
0x20: {  	s28 =	simm.s32 $_size_execute0_lowered;
	s4 =	sadd.s32 s4, s5;
	[dreg:$0x0] =	wrdreg $0x0  }
0x21: {  	s5 =	sshll.u32 s28, $0x1;
	[dreg:$0x2] =	wrdreg s4  }
0x22: {  	[dreg:$0x3] =	wrdreg s5  }
0x23: {  	[dreg:$0x4] =	wrdreg $0xC0  }
0x24: {  	_ =	task [dreg:s8], $0x5FFFF  }
0x25: {  	[dreg:$0x1] =	wrdreg $0xFFFFFFFF  }
0x26: {  	[dreg:$0x0] =	wrdreg $0x60  }
0x27: {  	[dreg:$0x2] =	wrdreg s2  }
0x28: {  	[dreg:$0x3] =	wrdreg s20  }
0x29: {  	[dreg:$0x4] =	wrdreg $0xA  }
0x2a: {  	_ =	task.clear_ibuf [dreg:s8], $0x5FFFF;
	_ =	strace $0x90000046  }
0x2b: {  	s29 =	simm.s32 $0xA;
	_ =	strace $0x80000048  }
0x2c: {  	_ =	swait.ge [sflag:s29], $0x1  }
0x2d: {  	[sflag:s29] =	ssyncadd.s32 $0xFFFFFFFF  }
0x2e: {  	_ =	strace $0x90000048  }
0x2f: {  	_ =	sfence  }
0x30: {  	s30 =	sld [smem:$0x0];
	_ =	sdelay $0x2  }
0x31: {  	s31 =	sshll.u32 s1, $0xD;
	s1 =	sshrl.u32 s1, $0x2  }
0x32: {  	s3 =	sand.u32 $0x4000, s31;
	s1 =	sadd.s32 s1, s30  }
0x33: {  	s0 =	sor.u32 s3, s0;
	s1 =	sshll.u32 s1, $0x11  }
0x34: {  	s0 =	sor.u32 s1, s0  }
0x35: {  	s0 =	sadd.s32 $0x8F2B, s0  }
0x36: {  	[sflag:s0] =	ssyncadd.remote.s32 $0x1  }
0x37: {  	_ =	sfence.sel $0xFFFF  }
0x38: {  	[dreg:$0x0] =	wrdreg $0xFFFFFFFF;
	(pc) =	sbr.abs _section_cstart, $3  }
0x39: {  	[dreg:$0x1] =	wrdreg $0xFFFFFFFF  }
0x3a: {  	_ =	task.clear_ibuf [dreg:s8], $0x2FFFF;
	_ =	strace $0x9FFFFFFF  }
0x3b: {  	(tm) =	ssettm $0x7FFFFFFF  }
tec
execute0_lowered:
.L_overlay_start_1:
0x0: {  	(tag) =	ssettag $0x1  }
0x1: {  	s0 =	srdreg.scid  }
0x2: {  	s1 =	sshll.u32 s0, $0x4  }
0x3: {  	s2 =	rddreg [dreg:$0x0];
	s0 =	stileid.u32;
	s1 =	sand.u32 $0x10, s1  }
0x4: {  	s4 =	rddreg [dreg:$0x1];
	s1 =	sor.u32 s0, s1  }
0x5: {  	s7 =	simm.s32 $0x1;
	s8 =	simm.s32 $0x2;
	s3 =	sshll.u32 s1, $0x1  }
0x6: {  	s9 =	simm.s32 $0x0;
	s12 =	simm.s32 $0x0;
	s6 =	ssub.s32 $0x800, s3  }
.Ltmp0:
0x7: {  	s11 =	simm.s32 $0x0;
	s5 =	sand.u32 $0x3E, s6;
	(pc) =	sbr.rel .LBB1_1-.Ltmp0, $4  }
0x8: {  	s1 =	rddreg [dreg:$0x2];
	_ =	strace $0x80000047;
	p0 =	sne.s32 s5, $0x0  }
0x9: {  	s6 =	sshrl.u32 s6, $0x6;
	s5 =	simm.s32 $0x1;
	s7 =	simm.s32 @!p0 $0x0  }
0xa: {  	s10 =	smov.u32 s3;
	[sflag:s5] =	ssyncpa.u1 $0x0;
	s6 =	sadd.s32 s7, s6  }
0xb: {  	[sflag:s8] =	ssyncpa.u1 $0x0;
	s8 =	simm.s32 $0x0;
	s7 =	sadd.s32 $0x1, s6  }
.LBB1_9:
0xc: {  	s14 =	sadd.s32 $0x40, s10  }
0xd: {  	p1 =	sgt.s32 s14, $0x7FF  }
0xe: {  	s14 =	smov.u32 @p1 s3;
	p1 =	sne.s32 s11, s7  }
.Ltmp1:
0xf: {  	p0 =	slt.u32 s11, $0x2;
	(pc) =	sbr.rel @!p1 .LBB1_10-.Ltmp1, $4  }
0x10: {  	s13 =	simm.s32 @!p0 $0x2  }
0x11: {  	s15 =	sadd.s32 $0x1, s11;
	_ =	swait.ge @!p0 [sflag:s13], $0x4000  }
0x12: {  	s12 =	smov.u32 s10;
	s9 =	sadd.s32 $0x4000, s9;
	[sflag:s13] =	ssyncset.done @!p0 $0x0  }
0x13: {  	s11 =	smov.u32 s15;
	s10 =	smov.u32 s14;
	[sflag:s13] =	ssyncadd.s32 @!p0 $0xFFFFC000  }
.LBB1_1:
0x14: {  	p0 =	sge.u32 s11, s6  }
0x15: {  	s13 =	sxor.u32 @!p0 $0xFFFFFFFF, s11  }
0x16: {  	s31 =	sadd.s32 $0xFFFFFFFF, s11;
	s14 =	sshll.u32 @!p0 s10, $0xA;
	s13 =	sshll.u32 @!p0 s13, $0xE  }
0x17: {  	s15 =	simm.s32 @!p0 $0x0;
	s14 =	sadd.s32 @!p0 s2, s14;
	s13 =	sand.u32 @!p0 $0x4000, s13  }
0x18: {  	[tilespmem:s13], [sflag:$0x1] =	stream.linear.gather @!p0 [hbm4b:s14+s15], $0x4000, $0x38;
	[tilespmem:$0x10000] =	vst v63  }
0x19: {  	p0 =	sge.u32 s31, s6  }
.Ltmp2:
0x1a: {  	_ = 	snop;
	(pc) =	sbr.rel @p0 .LBB1_9-.Ltmp2, $1  }
0x1b: {  	_ =	sdelay $0x3  }
0x1c: {  	s13 =	sshll.u32 s9, $0x2  }
0x1d: {  	_ =	swait.ge [sflag:s5], $0x4000;
	s14 =	sshll.u32 s11, $0xE;
	s16 =	simm.s32 $0x0  }
0x1e: {  	p1 =	por $0x1, $0x1;
	s13 =	sand.u32 $0x10000, s13;
	[sflag:s5] =	ssyncset.done $0x0  }
0x1f: {  	s14 =	sand.u32 $0x4000, s14;
	s15 =	sshrl.u32 s13, $0x2;
	[sflag:s5] =	ssyncadd.s32 $0xFFFFC000  }
0x20: {  	s13 =	sor.u32 $0x8000, s14;
	s14 =	sadd.s32 $0x8040, s15;
	s15 =	sadd.s32 $0x40, s15  }
.LBB1_3:
0x21: {  	s16 =	sshll.u32 s16, $0x2  }
0x22: {  	p0 =	por p1, p1;
	s17 =	sshra.s32 s16, $0x2  }
0x23: {  	s18 =	simm.s32 $0x0;
	s16 =	sadd.s32 s17, s14;
	s17 =	sadd.s32 s17, s15  }
.LBB1_4:
0x24: {  	v0 =	vmov s17;
	_ =	sdelay $0x3  }
0x25: {  	s20 =	simm.s32 $0x0  }
0x26: {  	v6 =	vld.idx.msk [tilespmem:v0+s20+$0x30 ss:$0x1], $0xffff  }
0x27: {  	v7 =	vld.idx.msk [tilespmem:v0+s20+$0xFFFFFFC0 ss:$0x1], $0xffff  }
0x28: {  	v5 =	vld.idx.msk [tilespmem:v0+s20+$0xFFFFFFD0 ss:$0x1], $0xffff  }
0x29: {  	v4 =	vld.idx.msk [tilespmem:v0+s20+$0xFFFFFFE0 ss:$0x1], $0xffff  }
0x2a: {  	v3 =	vld.idx.msk [tilespmem:v0+s20+$0xFFFFFFF0 ss:$0x1], $0xffff  }
0x2b: {  	v1 =	vld.idx.msk [tilespmem:v0+s20+$0x0 ss:$0x1], $0xffff  }
0x2c: {  	v2 =	vld.idx.msk [tilespmem:v0+s20+$0x10 ss:$0x1], $0xffff;
	[tilespmem:s16+$0x30] =	vst v6  }
0x2d: {  	s19 =	simm.s32 $0x80;
	s21 =	simm.s32 $0x400;
	[tilespmem:s16+$0xFFFFFFC0] =	vst v7;
	v6 =	vld.idx.msk [tilespmem:v0+s20+$0x20 ss:$0x1], $0xffff;
	s20 =	smov.u32 s16  }
.LBB1_5:
0x2e: {  	p1 =	sne.s32 s21, $0xE00;
	v7 =	vld.idx.msk [tilespmem:v0+s19+$0x30 ss:$0x1], $0xffff;
	[tilespmem:s20+$0xFFFFFFD0] =	vst v5  }
0x2f: {  	v8 =	vld.idx.msk [tilespmem:v0+s19+$0xFFFFFFC0 ss:$0x1], $0xffff;
	[tilespmem:s20+$0xFFFFFFE0] =	vst v4  }
0x30: {  	v5 =	vld.idx.msk [tilespmem:v0+s19+$0xFFFFFFD0 ss:$0x1], $0xffff;
	[tilespmem:s20+$0xFFFFFFF0] =	vst v3  }
.Ltmp3:
0x31: {  	v4 =	vld.idx.msk [tilespmem:v0+s19+$0xFFFFFFE0 ss:$0x1], $0xffff;
	[tilespmem:s20+$0x0] =	vst v1;
	(pc) =	sbr.rel @p1 .LBB1_5-.Ltmp3, $4  }
0x32: {  	v3 =	vld.idx.msk [tilespmem:v0+s19+$0xFFFFFFF0 ss:$0x1], $0xffff;
	[tilespmem:s20+$0x10] =	vst v2  }
0x33: {  	v1 =	vld.idx.msk [tilespmem:v0+s19+$0x0 ss:$0x1], $0xffff;
	[tilespmem:s20+$0x20] =	vst v6;
	s20 =	sadd.s32 $0x400, s20  }
0x34: {  	v2 =	vld.idx.msk [tilespmem:v0+s19+$0x10 ss:$0x1], $0xffff;
	[tilespmem:s20+$0x30] =	vst v7  }
0x35: {  	[tilespmem:s20+$0xFFFFFFC0] =	vst v8;
	v6 =	vld.idx.msk [tilespmem:v0+s19+$0x20 ss:$0x1], $0xffff;
	s19 =	sshra.s32 s21, $0x2;
	s21 =	sadd.s32 $0x200, s21  }
0x36: {  	_ =	sdelay $0x2  }
0x37: {  	[tilespmem:s20+$0xFFFFFFD0] =	vst v5  }
0x38: {  	v56 =	vld.idx.msk [tilespmem:v0+s19+$0x30 ss:$0x1], $0xffff;
	[tilespmem:s20+$0xFFFFFFE0] =	vst v4  }
0x39: {  	v57 =	vld.idx.msk [tilespmem:v0+s19+$0xFFFFFFC0 ss:$0x1], $0xffff;
	[tilespmem:s20+$0xFFFFFFF0] =	vst v3  }
0x3a: {  	v58 =	vld.idx.msk [tilespmem:v0+s19+$0xFFFFFFD0 ss:$0x1], $0xffff;
	[tilespmem:s20+$0x0] =	vst v1  }
0x3b: {  	v59 =	vld.idx.msk [tilespmem:v0+s19+$0xFFFFFFE0 ss:$0x1], $0xffff;
	[tilespmem:s20+$0x10] =	vst v2  }
0x3c: {  	v60 =	vld.idx.msk [tilespmem:v0+s19+$0xFFFFFFF0 ss:$0x1], $0xffff;
	s31 =	sadd.s32 $0x400, s20;
	[tilespmem:s20+$0x20] =	vst v6  }
0x3d: {  	v61 =	vld.idx.msk [tilespmem:v0+s19+$0x0 ss:$0x1], $0xffff;
	[tilespmem:s31+$0x30] =	vst v56  }
0x3e: {  	v62 =	vld.idx.msk [tilespmem:v0+s19+$0x10 ss:$0x1], $0xffff;
	s18 =	sadd.s32 $0x1, s18;
	[tilespmem:s31+$0xFFFFFFC0] =	vst v57  }
0x3f: {  	v63 =	vld.idx.msk [tilespmem:v0+s19+$0x20 ss:$0x1], $0xffff;
	p1 =	sne.s32 s18, $0x8;
	[tilespmem:s31+$0xFFFFFFD0] =	vst v58  }
.Ltmp4:
0x40: {  	[tilespmem:s31+$0xFFFFFFE0] =	vst v59;
	(pc) =	sbr.rel @p1 .LBB1_4-.Ltmp4, $4  }
0x41: {  	[tilespmem:s31+$0xFFFFFFF0] =	vst v60  }
0x42: {  	[tilespmem:s31+$0x0] =	vst v61  }
0x43: {  	[tilespmem:s31+$0x10] =	vst v62  }
0x44: {  	s16 =	sadd.s32 $0x80, s16;
	s17 =	sadd.s32 $0x400, s17;
	[tilespmem:s31+$0x20] =	vst v63  }
.Ltmp5:
0x45: {  	(pc) =	sbr.rel @p0 .LBB1_3-.Ltmp5, $2  }
0x46: {  	_ =	sdelay $0x2  }
0x47: {  	s16 =	simm.s32 $0x2000;
	p1 =	por $0x0, $0x0  }
.Ltmp6:
0x48: {  	(pc) =	sbr.rel .LBB1_9-.Ltmp6, $4  }
0x49: {  	_ = 	snop  }
0x4a: {  	s12 =	sshll.u32 s12, $0xA  }
0x4b: {  	s12 =	sadd.s32 s4, s12  }
0x4c: {  	[hbm4b:s12+s8] =	stream.linear.scatter [tilespmem:s13], [sflag:$0x2], $0x4000, $0x38;
	[tilespmem:$0x10000] =	vst v63  }
.LBB1_10:
0x4d: {  	_ =	sfence.sel $0x180000  }
0x4e: {  	s2 =	simm.s32 $0x1;
	[bflag:$0x0] =	sbarrier.arrive $0xFFFF  }
0x4f: {  	s31 =	simm.s32 $0x2;
	[sflag:s2] =	ssyncpa.u1 $0x1  }
0x50: {  	[sflag:s31] =	ssyncpa.u1 $0x1  }
0x51: {  	p0 =	sne.s32 s0, $0x0;
	_ =	strace $0x90000047  }
0x52: {  	s0 =	sadd.s32 @!p0 $0x100000, s1;
	[bflag:$0x2] =	sbarrier.arrive $0xFFFF  }
0x53: {  	[sflag:s0] =	ssyncadd.tile.s32 @!p0 $0x1;
	_ =	shalt  }
.Lfunc_end1:
_tile_overlayer_lowered:
.L_overlay_start_2:
0x54: {  	(tag) =	ssettag $0x2  }
0x55: {  	s0 =	rddreg [dreg:$0x0];
	s2 =	stileid.u32  }
0x56: {  	s1 =	rddreg [dreg:$0x1];
	p0 =	sne.s32 s2, $0x0  }
0x57: {  	s3 =	rddreg [dreg:$0x2];
	[bflag:$0x3] =	sbarrier.arrive $0xFFFF;
	s2 =	simm.s32 @!p0 $0x1C01  }
0x58: {  	[timem:s3], [sflag:s2] =	dma.local @!p0 [hbm:s0], s1  }
0x59: {  	s0 =	simm.s32 @!p0 $0x1  }
0x5a: {  	_ =	swait.ge @!p0 [sflag:s0], s1  }
0x5b: {  	s1 =	ssub.s32 @!p0 $0x0, s1;
	[sflag:s0] =	ssyncset.done @!p0 $0x0  }
0x5c: {  	[sflag:s0] =	ssyncadd.s32 @!p0 s1  }
0x5d: {  	[bflag:$0x3] =	sbarrier.arrive $0xFFFF  }
0x5e: {  	_ =	shalt  }

// kernel: sparse-core-data-format-call.cloned.1.call-start
scs
called_computation_lowered:
.L_overlay_start_0:
0x0: {  	s2 =	sld [smem:$0x3FD9]  }
0x1: {  	s3 =	sld [smem:$0x3FFE];
	_ =	sdelay $0x1  }
0x2: {  	s1 =	srdreg.scid  }
0x3: {  	s0 =	sand.u32 $0x1, s1  }
0x4: {  	s18 =	sshll.u32 s0, $0xA;
	s2 =	sadd.s32 s3, s2  }
0x5: {  	s2 =	sadd.s32 s2, s18  }
0x6: {  	[smem:$0x3FC6] =	sst s2  }
0x7: {  	_ = 	snop  }
0x8: {  	(tm) =	ssettm $0x1  }
0x9: {  	s19 =	sld [smem:$0x3FFB];
	_ =	sdelay $0x3  }
0xa: {  	_ =	strace s19  }
0xb: {  	s2 =	sld [smem:$0x3FFC];
	_ =	sdelay $0x3  }
0xc: {  	_ =	strace s2  }
0xd: {  	s2 =	sld [smem:$0x3FFD];
	_ =	sdelay $0x3  }
0xe: {  	_ =	strace s2  }
0xf: {  	_ =	strace $0x8FFFFFFF  }
0x10: {  	s20 =	sld [smem:$0x3FDB];
	_ =	sdelay $0x1  }
0x11: {  	s21 =	simm.s32 $_scs_section_size  }
0x12: {  	s4 =	simm.s32 $_size__tile_overlayer_lowered;
	s5 =	simm.s32 $_tile_overlayer_lowered  }
0x13: {  	s6 =	simm.s32 $0x1BFF;
	s22 =	sshll.u32 s5, $0x1;
	s3 =	sadd.s32 s21, s20  }
0x14: {  	s23 =	simm.s32 $0x0;
	s4 =	sshll.u32 s4, $0x1;
	s5 =	sadd.s32 s22, s3  }
0x15: {  	[timem:s23], [sflag:s6] =	dma.local [hbm:s5], s4  }
0x16: {  	_ =	swait.ge [sflag:s6], s4  }
0x17: {  	s4 =	ssub.s32 $0x0, s4;
	[sflag:s6] =	ssyncset.done $0x0  }
0x18: {  	[sflag:s6] =	ssyncadd.s32 s4;
	_ =	sdelay $0x1  }
0x19: {  	s24 =	simm.s32 $0x1B8B  }
0x1a: {  	_ =	swait.ge [sflag:s24], $0x1  }
0x1b: {  	[sflag:s24] =	ssyncset.done $0x0  }
0x1c: {  	[sflag:s24] =	ssyncadd.s32 $0xFFFFFFFF  }
0x1d: {  	s4 =	sld [smem:$0x0]  }
0x1e: {  	s5 =	sand.u32 $0xFFFFFFFE, s1  }
0x1f: {  	p0 =	sne.s32 s1, s5  }
0x20: {  	s5 =	sshll.u32 @p0 s5, $0xE  }
0x21: {  	s5 =	sadd.s32 @p0 $0x11B8D, s5;
	s6 =	sshll.u32 @p0 s4, $0x11  }
0x22: {  	s5 =	sor.u32 @p0 s6, s5  }
0x23: {  	[sflag:s5] =	ssyncadd.remote.s32 @p0 $0x1;
	_ =	sdelay $0x1  }
0x24: {  	s5 =	simm.s32 @p0 $0x1B8D  }
0x25: {  	_ =	swait.eq @p0 [sflag:s5], $0x1  }
0x26: {  	[sflag:s5] =	ssyncadd.s32 @p0 $0xFFFFFFFF  }
0x27: {  	s6 =	sshll.u32 @!p0 s1, $0xE  }
0x28: {  	s6 =	sor.u32 @!p0 $0x4000, s6;
	s5 =	simm.s32 @!p0 $0x1B8D  }
0x29: {  	s4 =	sshll.u32 @!p0 s4, $0x11;
	s6 =	sadd.s32 @!p0 $0x11B8D, s6;
	_ =	swait.eq @!p0 [sflag:s5], $0x1  }
0x2a: {  	s4 =	sor.u32 @!p0 s4, s6;
	[sflag:s5] =	ssyncadd.s32 @!p0 $0xFFFFFFFF  }
0x2b: {  	s26 =	simm.s32 $0x1B8E;
	s25 =	sld [smem:$0x3FFE];
	[sflag:s4] =	ssyncadd.remote.s32 @!p0 $0x1  }
0x2c: {  	s27 =	simm.s32 $execute0_lowered;
	[smem:$0x3FD2] =	sst s26  }
0x2d: {  	s5 =	sshll.u32 s27, $0x1;
	_ =	strace $0x80000049;
	[dreg:$0x1] =	wrdreg $0xFFFFFFFF  }
0x2e: {  	s28 =	simm.s32 $_size_execute0_lowered;
	s3 =	sadd.s32 s3, s5;
	[dreg:$0x0] =	wrdreg $0x0  }
0x2f: {  	s5 =	sshll.u32 s28, $0x1;
	[dreg:$0x2] =	wrdreg s3  }
0x30: {  	[dreg:$0x3] =	wrdreg s5  }
0x31: {  	[dreg:$0x4] =	wrdreg $0xC0  }
0x32: {  	_ =	task [dreg:s23], $0x5FFFF  }
0x33: {  	[dreg:$0x1] =	wrdreg $0xFFFFFFFF  }
0x34: {  	[dreg:$0x0] =	wrdreg $0x60  }
0x35: {  	[dreg:$0x2] =	wrdreg s25  }
0x36: {  	[dreg:$0x3] =	wrdreg $0x9  }
0x37: {  	_ =	task.clear_ibuf [dreg:s23], $0x4FFFF;
	_ =	strace $0x90000049  }
0x38: {  	s29 =	simm.s32 $0x9;
	_ =	strace $0x8000004B  }
0x39: {  	_ =	swait.ge [sflag:s29], $0x1  }
0x3a: {  	[sflag:s29] =	ssyncadd.s32 $0xFFFFFFFF  }
0x3b: {  	_ =	strace $0x9000004B  }
0x3c: {  	_ =	sfence  }
0x3d: {  	s30 =	sld [smem:$0x0];
	_ =	sdelay $0x2  }
0x3e: {  	s31 =	sshll.u32 s1, $0xD;
	s1 =	sshrl.u32 s1, $0x2  }
0x3f: {  	s4 =	sand.u32 $0x4000, s31;
	s1 =	sadd.s32 s1, s30  }
0x40: {  	s0 =	sor.u32 s4, s0;
	s1 =	sshll.u32 s1, $0x11  }
0x41: {  	s0 =	sor.u32 s1, s0  }
0x42: {  	s0 =	sadd.s32 $0x8F2B, s0  }
0x43: {  	[sflag:s0] =	ssyncadd.remote.s32 $0x1  }
0x44: {  	_ =	sfence.sel $0xFFFF  }
0x45: {  	[dreg:$0x0] =	wrdreg $0xFFFFFFFF;
	(pc) =	sbr.abs _section_cstart, $3  }
0x46: {  	[dreg:$0x1] =	wrdreg $0xFFFFFFFF  }
0x47: {  	_ =	task.clear_ibuf [dreg:s23], $0x2FFFF;
	_ =	strace $0x9FFFFFFF  }
0x48: {  	(tm) =	ssettm $0x7FFFFFFF  }
0x49: {  	_ =	shalt  }
tec
execute0_lowered:
.L_overlay_start_1:
0x0: {  	(tag) =	ssettag $0x1  }
0x1: {  	s0 =	srdreg.scid  }
0x2: {  	s1 =	sshll.u32 s0, $0x4  }
0x3: {  	s4 =	rddreg [dreg:$0x0];
	s0 =	stileid.u32;
	s1 =	sand.u32 $0x10, s1  }
0x4: {  	s7 =	simm.s32 $0x1;
	s8 =	simm.s32 $0x2;
	s1 =	sor.u32 s0, s1  }
0x5: {  	s9 =	simm.s32 $0x0;
	s12 =	simm.s32 $0x0;
	s2 =	sshll.u32 s1, $0x1  }
0x6: {  	s11 =	simm.s32 $0x0;
	s3 =	sadd.s32 $0x1C00, s4;
	s6 =	ssub.s32 $0x700, s2  }
.Ltmp0:
0x7: {  	s4 =	sadd.s32 $0x1C1C00, s4;
	s5 =	sand.u32 $0x3E, s6;
	(pc) =	sbr.rel .LBB1_1-.Ltmp0, $4  }
0x8: {  	s1 =	rddreg [dreg:$0x1];
	_ =	strace $0x8000004A;
	p0 =	sne.s32 s5, $0x0  }
0x9: {  	s6 =	sshrl.u32 s6, $0x6;
	s5 =	simm.s32 $0x1;
	s7 =	simm.s32 @!p0 $0x0  }
0xa: {  	s10 =	smov.u32 s2;
	[sflag:s5] =	ssyncpa.u1 $0x0;
	s6 =	sadd.s32 s7, s6  }
0xb: {  	[sflag:s8] =	ssyncpa.u1 $0x0;
	s8 =	simm.s32 $0x0;
	s7 =	sadd.s32 $0x1, s6  }
.LBB1_9:
0xc: {  	s14 =	sadd.s32 $0x40, s10  }
0xd: {  	p1 =	sgt.s32 s14, $0x6FF  }
0xe: {  	s14 =	smov.u32 @p1 s2;
	p1 =	sne.s32 s11, s7  }
.Ltmp1:
0xf: {  	p0 =	slt.u32 s11, $0x2;
	(pc) =	sbr.rel @!p1 .LBB1_10-.Ltmp1, $4  }
0x10: {  	s13 =	simm.s32 @!p0 $0x2  }
0x11: {  	s15 =	sadd.s32 $0x1, s11;
	_ =	swait.ge @!p0 [sflag:s13], $0x4000  }
0x12: {  	s12 =	smov.u32 s10;
	s9 =	sadd.s32 $0x4000, s9;
	[sflag:s13] =	ssyncset.done @!p0 $0x0  }
0x13: {  	s11 =	smov.u32 s15;
	s10 =	smov.u32 s14;
	[sflag:s13] =	ssyncadd.s32 @!p0 $0xFFFFC000  }
.LBB1_1:
0x14: {  	p0 =	sge.u32 s11, s6  }
0x15: {  	s13 =	sxor.u32 @!p0 $0xFFFFFFFF, s11  }
0x16: {  	s31 =	sadd.s32 $0xFFFFFFFF, s11;
	s14 =	sshll.u32 @!p0 s10, $0xA;
	s13 =	sshll.u32 @!p0 s13, $0xE  }
0x17: {  	s15 =	simm.s32 @!p0 $0x0;
	s14 =	sadd.s32 @!p0 s3, s14;
	s13 =	sand.u32 @!p0 $0x4000, s13  }
0x18: {  	[tilespmem:s13], [sflag:$0x1] =	stream.linear.gather @!p0 [hbm4b:s14+s15], $0x4000, $0x38;
	[tilespmem:$0x10000] =	vst v63  }
0x19: {  	p0 =	sge.u32 s31, s6  }
.Ltmp2:
0x1a: {  	_ = 	snop;
	(pc) =	sbr.rel @p0 .LBB1_9-.Ltmp2, $1  }
0x1b: {  	_ =	sdelay $0x3  }
0x1c: {  	s13 =	sshll.u32 s9, $0x2  }
0x1d: {  	_ =	swait.ge [sflag:s5], $0x4000;
	s14 =	sshll.u32 s11, $0xE;
	s16 =	simm.s32 $0x0  }
0x1e: {  	p1 =	por $0x1, $0x1;
	s13 =	sand.u32 $0x10000, s13;
	[sflag:s5] =	ssyncset.done $0x0  }
0x1f: {  	s14 =	sand.u32 $0x4000, s14;
	s15 =	sshrl.u32 s13, $0x2;
	[sflag:s5] =	ssyncadd.s32 $0xFFFFC000  }
0x20: {  	s13 =	sor.u32 $0x8000, s14;
	s14 =	sadd.s32 $0x8040, s15;
	s15 =	sadd.s32 $0x40, s15  }
.LBB1_3:
0x21: {  	s16 =	sshll.u32 s16, $0x2  }
0x22: {  	p0 =	por p1, p1;
	s17 =	sshra.s32 s16, $0x2  }
0x23: {  	s18 =	simm.s32 $0x0;
	s16 =	sadd.s32 s17, s14;
	s17 =	sadd.s32 s17, s15  }
.LBB1_4:
0x24: {  	v0 =	vmov s17;
	_ =	sdelay $0x3  }
0x25: {  	s20 =	simm.s32 $0x0  }
0x26: {  	v6 =	vld.idx.msk [tilespmem:v0+s20+$0x30 ss:$0x1], $0xffff  }
0x27: {  	v7 =	vld.idx.msk [tilespmem:v0+s20+$0xFFFFFFC0 ss:$0x1], $0xffff  }
0x28: {  	v5 =	vld.idx.msk [tilespmem:v0+s20+$0xFFFFFFD0 ss:$0x1], $0xffff  }
0x29: {  	v4 =	vld.idx.msk [tilespmem:v0+s20+$0xFFFFFFE0 ss:$0x1], $0xffff  }
0x2a: {  	v3 =	vld.idx.msk [tilespmem:v0+s20+$0xFFFFFFF0 ss:$0x1], $0xffff  }
0x2b: {  	v1 =	vld.idx.msk [tilespmem:v0+s20+$0x0 ss:$0x1], $0xffff  }
0x2c: {  	v2 =	vld.idx.msk [tilespmem:v0+s20+$0x10 ss:$0x1], $0xffff;
	[tilespmem:s16+$0x30] =	vst v6  }
0x2d: {  	s19 =	simm.s32 $0x80;
	s21 =	simm.s32 $0x400;
	[tilespmem:s16+$0xFFFFFFC0] =	vst v7;
	v6 =	vld.idx.msk [tilespmem:v0+s20+$0x20 ss:$0x1], $0xffff;
	s20 =	smov.u32 s16  }
.LBB1_5:
0x2e: {  	p1 =	sne.s32 s21, $0xE00;
	v7 =	vld.idx.msk [tilespmem:v0+s19+$0x30 ss:$0x1], $0xffff;
	[tilespmem:s20+$0xFFFFFFD0] =	vst v5  }
0x2f: {  	v8 =	vld.idx.msk [tilespmem:v0+s19+$0xFFFFFFC0 ss:$0x1], $0xffff;
	[tilespmem:s20+$0xFFFFFFE0] =	vst v4  }
0x30: {  	v5 =	vld.idx.msk [tilespmem:v0+s19+$0xFFFFFFD0 ss:$0x1], $0xffff;
	[tilespmem:s20+$0xFFFFFFF0] =	vst v3  }
.Ltmp3:
0x31: {  	v4 =	vld.idx.msk [tilespmem:v0+s19+$0xFFFFFFE0 ss:$0x1], $0xffff;
	[tilespmem:s20+$0x0] =	vst v1;
	(pc) =	sbr.rel @p1 .LBB1_5-.Ltmp3, $4  }
0x32: {  	v3 =	vld.idx.msk [tilespmem:v0+s19+$0xFFFFFFF0 ss:$0x1], $0xffff;
	[tilespmem:s20+$0x10] =	vst v2  }
0x33: {  	v1 =	vld.idx.msk [tilespmem:v0+s19+$0x0 ss:$0x1], $0xffff;
	[tilespmem:s20+$0x20] =	vst v6;
	s20 =	sadd.s32 $0x400, s20  }
0x34: {  	v2 =	vld.idx.msk [tilespmem:v0+s19+$0x10 ss:$0x1], $0xffff;
	[tilespmem:s20+$0x30] =	vst v7  }
0x35: {  	[tilespmem:s20+$0xFFFFFFC0] =	vst v8;
	v6 =	vld.idx.msk [tilespmem:v0+s19+$0x20 ss:$0x1], $0xffff;
	s19 =	sshra.s32 s21, $0x2;
	s21 =	sadd.s32 $0x200, s21  }
0x36: {  	_ =	sdelay $0x2  }
0x37: {  	[tilespmem:s20+$0xFFFFFFD0] =	vst v5  }
0x38: {  	v56 =	vld.idx.msk [tilespmem:v0+s19+$0x30 ss:$0x1], $0xffff;
	[tilespmem:s20+$0xFFFFFFE0] =	vst v4  }
0x39: {  	v57 =	vld.idx.msk [tilespmem:v0+s19+$0xFFFFFFC0 ss:$0x1], $0xffff;
	[tilespmem:s20+$0xFFFFFFF0] =	vst v3  }
0x3a: {  	v58 =	vld.idx.msk [tilespmem:v0+s19+$0xFFFFFFD0 ss:$0x1], $0xffff;
	[tilespmem:s20+$0x0] =	vst v1  }
0x3b: {  	v59 =	vld.idx.msk [tilespmem:v0+s19+$0xFFFFFFE0 ss:$0x1], $0xffff;
	[tilespmem:s20+$0x10] =	vst v2  }
0x3c: {  	v60 =	vld.idx.msk [tilespmem:v0+s19+$0xFFFFFFF0 ss:$0x1], $0xffff;
	s31 =	sadd.s32 $0x400, s20;
	[tilespmem:s20+$0x20] =	vst v6  }
0x3d: {  	v61 =	vld.idx.msk [tilespmem:v0+s19+$0x0 ss:$0x1], $0xffff;
	[tilespmem:s31+$0x30] =	vst v56  }
0x3e: {  	v62 =	vld.idx.msk [tilespmem:v0+s19+$0x10 ss:$0x1], $0xffff;
	s18 =	sadd.s32 $0x1, s18;
	[tilespmem:s31+$0xFFFFFFC0] =	vst v57  }
0x3f: {  	v63 =	vld.idx.msk [tilespmem:v0+s19+$0x20 ss:$0x1], $0xffff;
	p1 =	sne.s32 s18, $0x8;
	[tilespmem:s31+$0xFFFFFFD0] =	vst v58  }
.Ltmp4:
0x40: {  	[tilespmem:s31+$0xFFFFFFE0] =	vst v59;
	(pc) =	sbr.rel @p1 .LBB1_4-.Ltmp4, $4  }
0x41: {  	[tilespmem:s31+$0xFFFFFFF0] =	vst v60  }
0x42: {  	[tilespmem:s31+$0x0] =	vst v61  }
0x43: {  	[tilespmem:s31+$0x10] =	vst v62  }
0x44: {  	s16 =	sadd.s32 $0x80, s16;
	s17 =	sadd.s32 $0x400, s17;
	[tilespmem:s31+$0x20] =	vst v63  }
.Ltmp5:
0x45: {  	(pc) =	sbr.rel @p0 .LBB1_3-.Ltmp5, $2  }
0x46: {  	_ =	sdelay $0x2  }
0x47: {  	s16 =	simm.s32 $0x2000;
	p1 =	por $0x0, $0x0  }
.Ltmp6:
0x48: {  	(pc) =	sbr.rel .LBB1_9-.Ltmp6, $4  }
0x49: {  	_ = 	snop  }
0x4a: {  	s12 =	sshll.u32 s12, $0xA  }
0x4b: {  	s12 =	sadd.s32 s4, s12  }
0x4c: {  	[hbm4b:s12+s8] =	stream.linear.scatter [tilespmem:s13], [sflag:$0x2], $0x4000, $0x38;
	[tilespmem:$0x10000] =	vst v63  }
.LBB1_10:
0x4d: {  	_ =	sfence.sel $0x180000  }
0x4e: {  	s2 =	simm.s32 $0x1;
	[bflag:$0x0] =	sbarrier.arrive $0xFFFF  }
0x4f: {  	s31 =	simm.s32 $0x2;
	[sflag:s2] =	ssyncpa.u1 $0x1  }
0x50: {  	[sflag:s31] =	ssyncpa.u1 $0x1  }
0x51: {  	p0 =	sne.s32 s0, $0x0;
	_ =	strace $0x9000004A  }
0x52: {  	s0 =	sadd.s32 @!p0 $0x100000, s1;
	[bflag:$0x2] =	sbarrier.arrive $0xFFFF  }
0x53: {  	[sflag:s0] =	ssyncadd.tile.s32 @!p0 $0x1;
	_ =	shalt  }
.Lfunc_end1:
_tile_overlayer_lowered:
.L_overlay_start_2:
0x54: {  	(tag) =	ssettag $0x2  }
0x55: {  	s0 =	rddreg [dreg:$0x0];
	s2 =	stileid.u32  }
0x56: {  	s1 =	rddreg [dreg:$0x1];
	p0 =	sne.s32 s2, $0x0  }
0x57: {  	s3 =	rddreg [dreg:$0x2];
	[bflag:$0x3] =	sbarrier.arrive $0xFFFF;
	s2 =	simm.s32 @!p0 $0x1C01  }
0x58: {  	[timem:s3], [sflag:s2] =	dma.local @!p0 [hbm:s0], s1  }
0x59: {  	s0 =	simm.s32 @!p0 $0x1  }
0x5a: {  	_ =	swait.ge @!p0 [sflag:s0], s1  }
0x5b: {  	s1 =	ssub.s32 @!p0 $0x0, s1;
	[sflag:s0] =	ssyncset.done @!p0 $0x0  }
0x5c: {  	[sflag:s0] =	ssyncadd.s32 @!p0 s1  }
0x5d: {  	[bflag:$0x3] =	sbarrier.arrive $0xFFFF  }
0x5e: {  	_ =	shalt  }

</sc_bundles>
